<compile_context>
chip_gen: v7x
topology: tpu7x:2x2x1
jax: 0.10.2.dev20260603
libtpu: 0.0.44.dev20260713+nightly
codegen_flags: <defaults>
</compile_context>

<pallas_src>
import functools

import jax
import jax.numpy as jnp
from jax import lax
from jax.experimental import pallas as pl
from jax.experimental.pallas import tpu as pltpu
from jax.experimental.pallas import tpu_sc as plsc

D = 256
N_NODES = 10000
N_EDGES = 160000
K = 50

NC = 2
NS = 16
NW = NC * NS
E_PER_W = N_EDGES // NW
E_BLK = 40
N_CHUNK = E_PER_W // E_BLK

MV_BLK = 8000
NPAD = 8

ROWS = N_EDGES // 128
KPAD = 56


def _mm_body(x_ref, w1a_ref, w1b_ref, a_ref, b_ref):
    x = x_ref[...]
    a_ref[...] = jnp.dot(x, w1a_ref[...], preferred_element_type=jnp.float32)
    b_ref[...] = jnp.dot(x, w1b_ref[...], preferred_element_type=jnp.float32)


def _node_tables(emb, w1a, w1b):
    return pl.pallas_call(
        _mm_body,
        grid=(10,),
        in_specs=[
            pl.BlockSpec((1000, D), lambda i: (i, 0)),
            pl.BlockSpec((D, D), lambda i: (0, 0)),
            pl.BlockSpec((D, D), lambda i: (0, 0)),
        ],
        out_specs=[
            pl.BlockSpec((1000, D), lambda i: (i, 0)),
            pl.BlockSpec((1000, D), lambda i: (i, 0)),
        ],
        out_shape=[jax.ShapeDtypeStruct((N_NODES, D), jnp.float32)] * 2,
    )(emb, w1a, w1b)


def _gather_body(a_hbm, b_hbm, src_hbm, dst_hbm, b1_hbm, h_hbm,
                 idxs0, idxs1, idxd0, idxd1, ra0, ra1, rb0, rb1, b1_v,
                 sem0, sem1):
    wid = lax.axis_index("s") * NC + lax.axis_index("c")
    pltpu.sync_copy(b1_hbm, b1_v)
    b1c = [b1_v[pl.ds(i * 16, 16)] for i in range(16)]
    bufs = ((idxs0, idxd0, ra0, rb0, sem0), (idxs1, idxd1, ra1, rb1, sem1))

    def issue(c, p):
        idxs, idxd, ra, rb, sem = bufs[p]
        base = wid * E_PER_W + c * E_BLK
        pltpu.sync_copy(src_hbm.at[pl.ds(base, E_BLK)], idxs)
        pltpu.sync_copy(dst_hbm.at[pl.ds(base, E_BLK)], idxd)
        pltpu.async_copy(a_hbm.at[idxs], ra, sem)
        pltpu.async_copy(b_hbm.at[idxd], rb, sem)

    def finish(c, p):
        idxs, idxd, ra, rb, sem = bufs[p]
        pltpu.make_async_copy(a_hbm.at[pl.ds(0, E_BLK)], ra, sem).wait()
        pltpu.make_async_copy(b_hbm.at[pl.ds(0, E_BLK)], rb, sem).wait()

        def row_body(e, carry2):
            for cc in range(16):
                av = ra[e, pl.ds(cc * 16, 16)]
                bv = rb[e, pl.ds(cc * 16, 16)]
                ra[e, pl.ds(cc * 16, 16)] = (av + bv) + b1c[cc]
            return carry2

        lax.fori_loop(0, E_BLK, row_body, 0)
        base = wid * E_PER_W + c * E_BLK
        pltpu.sync_copy(ra, h_hbm.at[pl.ds(base, E_BLK)])

    issue(0, 0)

    def pair_body(g, carry):
        for b in range(2):
            c = 2 * g + b
            issue(c + 1, 1 - b)
            finish(c, b)
        return carry

    lax.fori_loop(0, (N_CHUNK - 1) // 2, pair_body, 0)
    finish(N_CHUNK - 1, 0)


def _edge_hidden(a_tab, b_tab, src, dst, b1):
    mesh = plsc.VectorSubcoreMesh(core_axis_name="c", subcore_axis_name="s")
    fn = functools.partial(
        pl.kernel,
        mesh=mesh,
        compiler_params=pltpu.CompilerParams(needs_layout_passes=False),
        out_type=jax.ShapeDtypeStruct((N_EDGES, D), jnp.float32),
        scratch_types=[
            pltpu.VMEM((E_BLK,), jnp.int32),
            pltpu.VMEM((E_BLK,), jnp.int32),
            pltpu.VMEM((E_BLK,), jnp.int32),
            pltpu.VMEM((E_BLK,), jnp.int32),
            pltpu.VMEM((E_BLK, D), jnp.float32),
            pltpu.VMEM((E_BLK, D), jnp.float32),
            pltpu.VMEM((E_BLK, D), jnp.float32),
            pltpu.VMEM((E_BLK, D), jnp.float32),
            pltpu.VMEM((D,), jnp.float32),
            pltpu.SemaphoreType.DMA,
            pltpu.SemaphoreType.DMA,
        ],
    )(_gather_body)
    return fn(a_tab, b_tab, src, dst, b1)


def _mv_body(h_ref, w2_ref, b2_ref, o_ref):
    z = jnp.dot(jnp.maximum(h_ref[...], 0.0), w2_ref[...],
                preferred_element_type=jnp.float32) + b2_ref[...]
    o_ref[...] = (1.0 / (1.0 + jnp.exp(-z)))[:, 0:1]


def _edge_scores(h, w2p, b2p):
    return pl.pallas_call(
        _mv_body,
        grid=(N_EDGES // MV_BLK,),
        in_specs=[
            pl.BlockSpec((MV_BLK, D), lambda i: (i, 0)),
            pl.BlockSpec((D, NPAD), lambda i: (0, 0)),
            pl.BlockSpec((1, NPAD), lambda i: (0, 0)),
        ],
        out_specs=pl.BlockSpec((MV_BLK, 1), lambda i: (i, 0)),
        out_shape=jax.ShapeDtypeStruct((N_EDGES, 1), jnp.float32),
    )(h, w2p, b2p)


def _topk_body(sc_ref, ei_ref, os_ref, op_ref, scratch_ref, linid_ref):
    valid = ei_ref[:ROWS, :] < ei_ref[ROWS:, :]
    scratch_ref[...] = jnp.where(valid, sc_ref[...], -jnp.inf)
    linid_ref[...] = (lax.broadcasted_iota(jnp.int32, (ROWS, 128), 0) * 128
                      + lax.broadcasted_iota(jnp.int32, (ROWS, 128), 1))
    col = lax.broadcasted_iota(jnp.int32, (1, 128), 1)
    taken = jnp.int32(2 ** 30)

    def body(kk, carry):
        sv = scratch_ref[...]
        lin = linid_ref[...]
        m = jnp.max(sv)
        idxs = jnp.where(sv == m, lin, taken)
        imin = jnp.min(idxs)
        r = imin // 128
        cc = imin % 128
        rowmask = col == cc
        hrow = scratch_ref[pl.ds(r, 1), :]
        scratch_ref[pl.ds(r, 1), :] = jnp.where(rowmask, -jnp.inf, hrow)
        lrow = linid_ref[pl.ds(r, 1), :]
        linid_ref[pl.ds(r, 1), :] = jnp.where(rowmask, taken, lrow)
        srow = ei_ref[pl.ds(r, 1), :]
        drow = ei_ref[pl.ds(ROWS + r, 1), :]
        sval = jnp.sum(jnp.where(col == cc, srow, 0))
        dval = jnp.sum(jnp.where(col == cc, drow, 0))
        os_ref[pl.ds(kk, 1), :] = jnp.full((1, 128), m, jnp.float32)
        op_ref[pl.ds(kk, 1), :] = jnp.full((1, 128), sval, jnp.int32)
        op_ref[pl.ds(KPAD + kk, 1), :] = jnp.full((1, 128), dval, jnp.int32)
        return carry

    lax.fori_loop(0, K, body, 0)


def _topk(scores, edge_index):
    return pl.pallas_call(
        _topk_body,
        out_shape=[
            jax.ShapeDtypeStruct((KPAD, 128), jnp.float32),
            jax.ShapeDtypeStruct((2 * KPAD, 128), jnp.int32),
        ],
        scratch_shapes=[pltpu.VMEM((ROWS, 128), jnp.float32),
                        pltpu.VMEM((ROWS, 128), jnp.int32)],
    )(scores.reshape(ROWS, 128), edge_index.reshape(2 * ROWS, 128))


def kernel(edge_embeddings, edge_index, W1, b1, W2, b2):
    a_tab, b_tab = _node_tables(edge_embeddings, W1[:D], W1[D:])
    src = edge_index[0]
    dst = edge_index[1]
    h = _edge_hidden(a_tab, b_tab, src, dst, b1)
    w2p = jnp.concatenate([W2, jnp.zeros((D, NPAD - 1), jnp.float32)], axis=1)
    b2p = jnp.full((1, NPAD), b2[0], jnp.float32)
    scores = _edge_scores(h, w2p, b2p)
    os_pad, op_pad = _topk(scores, edge_index)
    top_scores = os_pad[:K, 0]
    top_pairs = jnp.stack([op_pad[:K, 0], op_pad[KPAD:KPAD + K, 0]], axis=1)
    return (top_pairs, top_scores)

# --- scband reference (transcript-rebuilt; emitter-appended) ---
"""Pipeline reference for scband-edge-group-analyzer-34256659153226 (READ-ONLY COPY).

The authoritative reference and input builder live on the scoring server;
editing this copy changes nothing except your own understanding.
"""

import jax, jax.numpy as jnp
import numpy as np

EDGE_DIM = 256
TOP_K = 50
N_NODES = 10000
N_EDGES = 160000


def setup_inputs(seed: int = 0) -> dict:
    key = jax.random.key(seed)
    k1, k2, k3, k4, k5, k6 = jax.random.split(key, 6)
    edge_embeddings = jax.random.normal(k1, (N_NODES, EDGE_DIM), dtype=jnp.float32)
    edge_index = jax.random.randint(k2, (2, N_EDGES), 0, N_NODES, dtype=jnp.int64 if jax.config.jax_enable_x64 else jnp.int32).astype(jnp.int32)
    # importance_head params: Linear(2*D, D) -> ReLU -> Linear(D, 1) -> Sigmoid
    lim1 = 1.0 / np.sqrt(2 * EDGE_DIM)
    W1 = jax.random.uniform(k3, (2 * EDGE_DIM, EDGE_DIM), minval=-lim1, maxval=lim1, dtype=jnp.float32)
    b1 = jax.random.uniform(k4, (EDGE_DIM,), minval=-lim1, maxval=lim1, dtype=jnp.float32)
    lim2 = 1.0 / np.sqrt(EDGE_DIM)
    W2 = jax.random.uniform(k5, (EDGE_DIM, 1), minval=-lim2, maxval=lim2, dtype=jnp.float32)
    b2 = jax.random.uniform(k6, (1,), minval=-lim2, maxval=lim2, dtype=jnp.float32)
    return {"edge_embeddings": edge_embeddings, "edge_index": edge_index, "W1": W1, "b1": b1, "W2": W2, "b2": b2}


def reference(edge_embeddings, edge_index, W1, b1, W2, b2):
    src = edge_index[0]
    dst = edge_index[1]
    # pair embedding: concat(emb[src], emb[dst]) for every edge (vectorized over loop)
    pair_emb = jnp.concatenate([jnp.take(edge_embeddings, src, axis=0),
                                jnp.take(edge_embeddings, dst, axis=0)], axis=-1)
    h = jax.nn.relu(pair_emb @ W1 + b1)
    scores = jax.nn.sigmoid(h @ W2 + b2)[:, 0]
    # original only keeps edges with edge_i < edge_j; mask others out of top-k
    valid = src < dst
    masked_scores = jnp.where(valid, scores, -jnp.inf)
    k = TOP_K
    top_scores, top_idx = jax.lax.top_k(masked_scores, k)
    top_pairs = edge_index[:, top_idx].T  # [k, 2] of (edge_i, edge_j)
    return (top_pairs, top_scores)

if __name__ == "__main__":
    import jax
    _d = setup_inputs()
    print(jax.jit(kernel)(*tuple(_d.values())))

</pallas_src>

<mosaic_0001>
#map = affine_map<(d0, d1) -> (0, 0)>
#map1 = affine_map<(d0, d1) -> (0)>
module attributes {stable_mosaic.version = 14 : i64} {
  func.func @_gather_body(%arg0: i32, %arg1: i32, %arg2: memref<10000x256xf32, #tpu.memory_space<hbm>>, %arg3: memref<10000x256xf32, #tpu.memory_space<hbm>>, %arg4: memref<160000xi32, #tpu.memory_space<hbm>>, %arg5: memref<160000xi32, #tpu.memory_space<hbm>>, %arg6: memref<256xf32, #tpu.memory_space<hbm>>, %arg7: memref<160000x256xf32, #tpu.memory_space<hbm>>, %arg8: memref<40xi32, #tpu.memory_space<vmem>>, %arg9: memref<40xi32, #tpu.memory_space<vmem>>, %arg10: memref<40xi32, #tpu.memory_space<vmem>>, %arg11: memref<40xi32, #tpu.memory_space<vmem>>, %arg12: memref<40x256xf32, #tpu.memory_space<vmem>>, %arg13: memref<40x256xf32, #tpu.memory_space<vmem>>, %arg14: memref<40x256xf32, #tpu.memory_space<vmem>>, %arg15: memref<40x256xf32, #tpu.memory_space<vmem>>, %arg16: memref<256xf32, #tpu.memory_space<vmem>>, %arg17: memref<!tpu.dma_semaphore, #tpu.memory_space<semaphore_mem>>, %arg18: memref<!tpu.dma_semaphore, #tpu.memory_space<semaphore_mem>>) attributes {dimension_semantics = [#tpu.dimension_semantics<core_parallel>, #tpu.dimension_semantics<subcore_parallel>], iteration_bounds = array<i64: 2, 16>, scalar_prefetch = 0 : i64, scratch_operands = 11 : i64, tpu.core_type = #tpu.core_type<sc_vector_subcore>, window_params = [{transform_indices = #map}, {transform_indices = #map}, {transform_indices = #map1}, {transform_indices = #map1}, {transform_indices = #map1}, {transform_indices = #map}]} {
    %mul3A = arith.constant 2 : i32
    %mul3A_0 = arith.muli %arg1, %mul3A : i32
    %add3A = arith.addi %mul3A_0, %arg0 : i32
    "tpu.region"() ({
      %run_scoped3A = tpu.sem_alloc : memref<!tpu.dma_semaphore, #tpu.memory_space<semaphore_mem>>
      tpu.enqueue_dma source(%arg6 : memref<256xf32, #tpu.memory_space<hbm>>) target(%arg16 : memref<256xf32, #tpu.memory_space<vmem>>) target_semaphore(%run_scoped3A : memref<!tpu.dma_semaphore, #tpu.memory_space<semaphore_mem>>)
      tpu.wait_dma2 semaphore(%run_scoped3A : memref<!tpu.dma_semaphore, #tpu.memory_space<semaphore_mem>>) src(%arg6 : memref<256xf32, #tpu.memory_space<hbm>>) dst(%arg16 : memref<256xf32, #tpu.memory_space<vmem>>)
      tpu.yield
    }) : () -> ()
    %get3A = arith.constant 0 : index
    %get3A_1 = tpu.vector_load %arg16[%get3A] {strides = array<i32>} : memref<256xf32, #tpu.memory_space<vmem>>, vector<16xf32>,
    %get3A_2 = arith.constant 16 : index
    %get3A_3 = tpu.vector_load %arg16[%get3A_2] {strides = array<i32>} : memref<256xf32, #tpu.memory_space<vmem>>, vector<16xf32>,
    %get3A_4 = arith.constant 32 : index
    %get3A_5 = tpu.vector_load %arg16[%get3A_4] {strides = array<i32>} : memref<256xf32, #tpu.memory_space<vmem>>, vector<16xf32>,
    %get3A_6 = arith.constant 48 : index
    %get3A_7 = tpu.vector_load %arg16[%get3A_6] {strides = array<i32>} : memref<256xf32, #tpu.memory_space<vmem>>, vector<16xf32>,
    %get3A_8 = arith.constant 64 : index
    %get3A_9 = tpu.vector_load %arg16[%get3A_8] {strides = array<i32>} : memref<256xf32, #tpu.memory_space<vmem>>, vector<16xf32>,
    %get3A_10 = arith.constant 80 : index
    %get3A_11 = tpu.vector_load %arg16[%get3A_10] {strides = array<i32>} : memref<256xf32, #tpu.memory_space<vmem>>, vector<16xf32>,
    %get3A_12 = arith.constant 96 : index
    %get3A_13 = tpu.vector_load %arg16[%get3A_12] {strides = array<i32>} : memref<256xf32, #tpu.memory_space<vmem>>, vector<16xf32>,
    %get3A_14 = arith.constant 112 : index
    %get3A_15 = tpu.vector_load %arg16[%get3A_14] {strides = array<i32>} : memref<256xf32, #tpu.memory_space<vmem>>, vector<16xf32>,
    %get3A_16 = arith.constant 128 : index
    %get3A_17 = tpu.vector_load %arg16[%get3A_16] {strides = array<i32>} : memref<256xf32, #tpu.memory_space<vmem>>, vector<16xf32>,
    %get3A_18 = arith.constant 144 : index
    %get3A_19 = tpu.vector_load %arg16[%get3A_18] {strides = array<i32>} : memref<256xf32, #tpu.memory_space<vmem>>, vector<16xf32>,
    %get3A_20 = arith.constant 160 : index
    %get3A_21 = tpu.vector_load %arg16[%get3A_20] {strides = array<i32>} : memref<256xf32, #tpu.memory_space<vmem>>, vector<16xf32>,
    %get3A_22 = arith.constant 176 : index
    %get3A_23 = tpu.vector_load %arg16[%get3A_22] {strides = array<i32>} : memref<256xf32, #tpu.memory_space<vmem>>, vector<16xf32>,
    %get3A_24 = arith.constant 192 : index
    %get3A_25 = tpu.vector_load %arg16[%get3A_24] {strides = array<i32>} : memref<256xf32, #tpu.memory_space<vmem>>, vector<16xf32>,
    %get3A_26 = arith.constant 208 : index
    %get3A_27 = tpu.vector_load %arg16[%get3A_26] {strides = array<i32>} : memref<256xf32, #tpu.memory_space<vmem>>, vector<16xf32>,
    %get3A_28 = arith.constant 224 : index
    %get3A_29 = tpu.vector_load %arg16[%get3A_28] {strides = array<i32>} : memref<256xf32, #tpu.memory_space<vmem>>, vector<16xf32>,
    %get3A_30 = arith.constant 240 : index
    %get3A_31 = tpu.vector_load %arg16[%get3A_30] {strides = array<i32>} : memref<256xf32, #tpu.memory_space<vmem>>, vector<16xf32>,
    %mul3A_32 = arith.constant 5000 : i32
    %mul3A_33 = arith.muli %add3A, %mul3A_32 : i32
    %add3A_34 = arith.constant 0 : i32
    %add3A_35 = arith.addi %mul3A_33, %add3A_34 : i32
    "tpu.region"() ({
      %run_scoped3A = tpu.sem_alloc : memref<!tpu.dma_semaphore, #tpu.memory_space<semaphore_mem>>
      %dma_start3A_67 = tpu.memref_slice %arg4[%add3A_35] : memref<160000xi32, #tpu.memory_space<hbm>> -> memref<40xi32, #tpu.memory_space<hbm>>
      %dma_start3A_68 = tpu.memref_slice %arg4[%add3A_35] : memref<160000xi32, #tpu.memory_space<hbm>> -> memref<40xi32, #tpu.memory_space<hbm>>
      tpu.enqueue_dma source(%dma_start3A_68 : memref<40xi32, #tpu.memory_space<hbm>>) target(%arg8 : memref<40xi32, #tpu.memory_space<vmem>>) target_semaphore(%run_scoped3A : memref<!tpu.dma_semaphore, #tpu.memory_space<semaphore_mem>>)
      %dma_wait3A_69 = tpu.memref_slice %arg4[%add3A_35] : memref<160000xi32, #tpu.memory_space<hbm>> -> memref<40xi32, #tpu.memory_space<hbm>>
      %dma_wait3A_70 = tpu.memref_slice %arg4[%add3A_35] : memref<160000xi32, #tpu.memory_space<hbm>> -> memref<40xi32, #tpu.memory_space<hbm>>
      tpu.wait_dma2 semaphore(%run_scoped3A : memref<!tpu.dma_semaphore, #tpu.memory_space<semaphore_mem>>) src(%dma_wait3A_70 : memref<40xi32, #tpu.memory_space<hbm>>) dst(%arg8 : memref<40xi32, #tpu.memory_space<vmem>>)
      tpu.yield
    }) : () -> ()
    "tpu.region"() ({
      %run_scoped3A = tpu.sem_alloc : memref<!tpu.dma_semaphore, #tpu.memory_space<semaphore_mem>>
      %dma_start3A_67 = tpu.memref_slice %arg5[%add3A_35] : memref<160000xi32, #tpu.memory_space<hbm>> -> memref<40xi32, #tpu.memory_space<hbm>>
      %dma_start3A_68 = tpu.memref_slice %arg5[%add3A_35] : memref<160000xi32, #tpu.memory_space<hbm>> -> memref<40xi32, #tpu.memory_space<hbm>>
      tpu.enqueue_dma source(%dma_start3A_68 : memref<40xi32, #tpu.memory_space<hbm>>) target(%arg10 : memref<40xi32, #tpu.memory_space<vmem>>) target_semaphore(%run_scoped3A : memref<!tpu.dma_semaphore, #tpu.memory_space<semaphore_mem>>)
      %dma_wait3A_69 = tpu.memref_slice %arg5[%add3A_35] : memref<160000xi32, #tpu.memory_space<hbm>> -> memref<40xi32, #tpu.memory_space<hbm>>
      %dma_wait3A_70 = tpu.memref_slice %arg5[%add3A_35] : memref<160000xi32, #tpu.memory_space<hbm>> -> memref<40xi32, #tpu.memory_space<hbm>>
      tpu.wait_dma2 semaphore(%run_scoped3A : memref<!tpu.dma_semaphore, #tpu.memory_space<semaphore_mem>>) src(%dma_wait3A_70 : memref<40xi32, #tpu.memory_space<hbm>>) dst(%arg10 : memref<40xi32, #tpu.memory_space<vmem>>)
      tpu.yield
    }) : () -> ()
    %dma_start3A = arith.constant 0 : i32
    %dma_start3A_36 = arith.constant 0 : i32
    %dma_start3A_37 = tpu.memref_slice %arg2[%dma_start3A, %dma_start3A_36] : memref<10000x256xf32, #tpu.memory_space<hbm>> -> memref<10000x256xf32, #tpu.memory_space<hbm>>
    tpu.enqueue_indirect_dma source(%dma_start3A_37 : memref<10000x256xf32, #tpu.memory_space<hbm>>) target(%arg12 : memref<40x256xf32, #tpu.memory_space<vmem>>) offsets(%arg8 : memref<40xi32, #tpu.memory_space<vmem>>) semaphore(%arg17 : memref<!tpu.dma_semaphore, #tpu.memory_space<semaphore_mem>>)
    %dma_start3A_38 = arith.constant 0 : i32
    %dma_start3A_39 = arith.constant 0 : i32
    %dma_start3A_40 = tpu.memref_slice %arg3[%dma_start3A_38, %dma_start3A_39] : memref<10000x256xf32, #tpu.memory_space<hbm>> -> memref<10000x256xf32, #tpu.memory_space<hbm>>
    tpu.enqueue_indirect_dma source(%dma_start3A_40 : memref<10000x256xf32, #tpu.memory_space<hbm>>) target(%arg14 : memref<40x256xf32, #tpu.memory_space<vmem>>) offsets(%arg10 : memref<40xi32, #tpu.memory_space<vmem>>) semaphore(%arg17 : memref<!tpu.dma_semaphore, #tpu.memory_space<semaphore_mem>>)
    %scan3A = arith.constant 0 : i32
    %scan3A_41 = arith.constant 0 : i32
    %scan3A_42 = arith.constant 62 : i32
    %scan3A_43 = arith.addi %scan3A_41, %scan3A_42 : i32
    %scan3A_44 = arith.constant 1 : i32
    scf.for %scan3A_67 = %scan3A_41 to %scan3A_43 step %scan3A_44  : i32 {
      %mul3A_68 = arith.constant 2 : i32
      %mul3A_69 = arith.muli %mul3A_68, %scan3A_67 : i32
      %add3A_70 = arith.constant 0 : i32
      %add3A_71 = arith.addi %mul3A_69, %add3A_70 : i32
      %add3A_72 = arith.constant 1 : i32
      %add3A_73 = arith.addi %add3A_71, %add3A_72 : i32
      %mul3A_74 = arith.constant 5000 : i32
      %mul3A_75 = arith.muli %add3A, %mul3A_74 : i32
      %mul3A_76 = arith.constant 40 : i32
      %mul3A_77 = arith.muli %add3A_73, %mul3A_76 : i32
      %add3A_78 = arith.addi %mul3A_75, %mul3A_77 : i32
      "tpu.region"() ({
        %run_scoped3A = tpu.sem_alloc : memref<!tpu.dma_semaphore, #tpu.memory_space<semaphore_mem>>
        %dma_start3A_148 = tpu.memref_slice %arg4[%add3A_78] : memref<160000xi32, #tpu.memory_space<hbm>> -> memref<40xi32, #tpu.memory_space<hbm>>
        %dma_start3A_149 = tpu.memref_slice %arg4[%add3A_78] : memref<160000xi32, #tpu.memory_space<hbm>> -> memref<40xi32, #tpu.memory_space<hbm>>
        tpu.enqueue_dma source(%dma_start3A_149 : memref<40xi32, #tpu.memory_space<hbm>>) target(%arg9 : memref<40xi32, #tpu.memory_space<vmem>>) target_semaphore(%run_scoped3A : memref<!tpu.dma_semaphore, #tpu.memory_space<semaphore_mem>>)
        %dma_wait3A_150 = tpu.memref_slice %arg4[%add3A_78] : memref<160000xi32, #tpu.memory_space<hbm>> -> memref<40xi32, #tpu.memory_space<hbm>>
        %dma_wait3A_151 = tpu.memref_slice %arg4[%add3A_78] : memref<160000xi32, #tpu.memory_space<hbm>> -> memref<40xi32, #tpu.memory_space<hbm>>
        tpu.wait_dma2 semaphore(%run_scoped3A : memref<!tpu.dma_semaphore, #tpu.memory_space<semaphore_mem>>) src(%dma_wait3A_151 : memref<40xi32, #tpu.memory_space<hbm>>) dst(%arg9 : memref<40xi32, #tpu.memory_space<vmem>>)
        tpu.yield
      }) : () -> ()
      "tpu.region"() ({
        %run_scoped3A = tpu.sem_alloc : memref<!tpu.dma_semaphore, #tpu.memory_space<semaphore_mem>>
        %dma_start3A_148 = tpu.memref_slice %arg5[%add3A_78] : memref<160000xi32, #tpu.memory_space<hbm>> -> memref<40xi32, #tpu.memory_space<hbm>>
        %dma_start3A_149 = tpu.memref_slice %arg5[%add3A_78] : memref<160000xi32, #tpu.memory_space<hbm>> -> memref<40xi32, #tpu.memory_space<hbm>>
        tpu.enqueue_dma source(%dma_start3A_149 : memref<40xi32, #tpu.memory_space<hbm>>) target(%arg11 : memref<40xi32, #tpu.memory_space<vmem>>) target_semaphore(%run_scoped3A : memref<!tpu.dma_semaphore, #tpu.memory_space<semaphore_mem>>)
        %dma_wait3A_150 = tpu.memref_slice %arg5[%add3A_78] : memref<160000xi32, #tpu.memory_space<hbm>> -> memref<40xi32, #tpu.memory_space<hbm>>
        %dma_wait3A_151 = tpu.memref_slice %arg5[%add3A_78] : memref<160000xi32, #tpu.memory_space<hbm>> -> memref<40xi32, #tpu.memory_space<hbm>>
        tpu.wait_dma2 semaphore(%run_scoped3A : memref<!tpu.dma_semaphore, #tpu.memory_space<semaphore_mem>>) src(%dma_wait3A_151 : memref<40xi32, #tpu.memory_space<hbm>>) dst(%arg11 : memref<40xi32, #tpu.memory_space<vmem>>)
        tpu.yield
      }) : () -> ()
      %dma_start3A_79 = arith.constant 0 : i32
      %dma_start3A_80 = arith.constant 0 : i32
      %dma_start3A_81 = tpu.memref_slice %arg2[%dma_start3A_79, %dma_start3A_80] : memref<10000x256xf32, #tpu.memory_space<hbm>> -> memref<10000x256xf32, #tpu.memory_space<hbm>>
      tpu.enqueue_indirect_dma source(%dma_start3A_81 : memref<10000x256xf32, #tpu.memory_space<hbm>>) target(%arg13 : memref<40x256xf32, #tpu.memory_space<vmem>>) offsets(%arg9 : memref<40xi32, #tpu.memory_space<vmem>>) semaphore(%arg18 : memref<!tpu.dma_semaphore, #tpu.memory_space<semaphore_mem>>)
      %dma_start3A_82 = arith.constant 0 : i32
      %dma_start3A_83 = arith.constant 0 : i32
      %dma_start3A_84 = tpu.memref_slice %arg3[%dma_start3A_82, %dma_start3A_83] : memref<10000x256xf32, #tpu.memory_space<hbm>> -> memref<10000x256xf32, #tpu.memory_space<hbm>>
      tpu.enqueue_indirect_dma source(%dma_start3A_84 : memref<10000x256xf32, #tpu.memory_space<hbm>>) target(%arg15 : memref<40x256xf32, #tpu.memory_space<vmem>>) offsets(%arg11 : memref<40xi32, #tpu.memory_space<vmem>>) semaphore(%arg18 : memref<!tpu.dma_semaphore, #tpu.memory_space<semaphore_mem>>)
      %dma_wait3A_85 = arith.constant 0 : i32
      %dma_wait3A_86 = arith.constant 0 : i32
      %dma_wait3A_87 = tpu.memref_slice %arg2[%dma_wait3A_85, %dma_wait3A_86] : memref<10000x256xf32, #tpu.memory_space<hbm>> -> memref<40x256xf32, #tpu.memory_space<hbm>>
      %dma_wait3A_88 = arith.constant 0 : i32
      %dma_wait3A_89 = arith.constant 0 : i32
      %dma_wait3A_90 = tpu.memref_slice %arg2[%dma_wait3A_88, %dma_wait3A_89] : memref<10000x256xf32, #tpu.memory_space<hbm>> -> memref<40x256xf32, #tpu.memory_space<hbm>>
      tpu.wait_dma2 semaphore(%arg17 : memref<!tpu.dma_semaphore, #tpu.memory_space<semaphore_mem>>) src(%dma_wait3A_90 : memref<40x256xf32, #tpu.memory_space<hbm>>) dst(%arg12 : memref<40x256xf32, #tpu.memory_space<vmem>>)
      %dma_wait3A_91 = arith.constant 0 : i32
      %dma_wait3A_92 = arith.constant 0 : i32
      %dma_wait3A_93 = tpu.memref_slice %arg3[%dma_wait3A_91, %dma_wait3A_92] : memref<10000x256xf32, #tpu.memory_space<hbm>> -> memref<40x256xf32, #tpu.memory_space<hbm>>
      %dma_wait3A_94 = arith.constant 0 : i32
      %dma_wait3A_95 = arith.constant 0 : i32
      %dma_wait3A_96 = tpu.memref_slice %arg3[%dma_wait3A_94, %dma_wait3A_95] : memref<10000x256xf32, #tpu.memory_space<hbm>> -> memref<40x256xf32, #tpu.memory_space<hbm>>
      tpu.wait_dma2 semaphore(%arg17 : memref<!tpu.dma_semaphore, #tpu.memory_space<semaphore_mem>>) src(%dma_wait3A_96 : memref<40x256xf32, #tpu.memory_space<hbm>>) dst(%arg14 : memref<40x256xf32, #tpu.memory_space<vmem>>)
      %scan3A_97 = arith.constant 0 : i32
      %scan3A_98 = arith.constant 0 : i32
      %scan3A_99 = arith.constant 40 : i32
      %scan3A_100 = arith.addi %scan3A_98, %scan3A_99 : i32
      %scan3A_101 = arith.constant 1 : i32
      scf.for %scan3A_148 = %scan3A_98 to %scan3A_100 step %scan3A_101  : i32 {
        %get3A_149 = arith.index_cast %scan3A_148 : i32 to index
        %get3A_150 = arith.constant 0 : index
        %get3A_151 = tpu.vector_load %arg12[%get3A_149, %get3A_150] {strides = array<i32>} : memref<40x256xf32, #tpu.memory_space<vmem>>, vector<16xf32>,
        %get3A_152 = arith.index_cast %scan3A_148 : i32 to index
        %get3A_153 = arith.constant 0 : index
        %get3A_154 = tpu.vector_load %arg14[%get3A_152, %get3A_153] {strides = array<i32>} : memref<40x256xf32, #tpu.memory_space<vmem>>, vector<16xf32>,
        %add3A_155 = arith.addf %get3A_151, %get3A_154 : vector<16xf32>
        %add3A_156 = arith.addf %add3A_155, %get3A_1 : vector<16xf32>
        %swap3A = arith.index_cast %scan3A_148 : i32 to index
        %swap3A_157 = arith.constant 0 : index
        %swap3A_158 = tpu.vector_load %arg12[%swap3A, %swap3A_157] {strides = array<i32>} : memref<40x256xf32, #tpu.memory_space<vmem>>, vector<16xf32>,
        tpu.vector_store %arg12[%swap3A, %swap3A_157], %add3A_156 {strides = array<i32>} : memref<40x256xf32, #tpu.memory_space<vmem>>, vector<16xf32>,
        %get3A_159 = arith.index_cast %scan3A_148 : i32 to index
        %get3A_160 = arith.constant 16 : index
        %get3A_161 = tpu.vector_load %arg12[%get3A_159, %get3A_160] {strides = array<i32>} : memref<40x256xf32, #tpu.memory_space<vmem>>, vector<16xf32>,
        %get3A_162 = arith.index_cast %scan3A_148 : i32 to index
        %get3A_163 = arith.constant 16 : index
        %get3A_164 = tpu.vector_load %arg14[%get3A_162, %get3A_163] {strides = array<i32>} : memref<40x256xf32, #tpu.memory_space<vmem>>, vector<16xf32>,
        %add3A_165 = arith.addf %get3A_161, %get3A_164 : vector<16xf32>
        %add3A_166 = arith.addf %add3A_165, %get3A_3 : vector<16xf32>
        %swap3A_167 = arith.index_cast %scan3A_148 : i32 to index
        %swap3A_168 = arith.constant 16 : index
        %swap3A_169 = tpu.vector_load %arg12[%swap3A_167, %swap3A_168] {strides = array<i32>} : memref<40x256xf32, #tpu.memory_space<vmem>>, vector<16xf32>,
        tpu.vector_store %arg12[%swap3A_167, %swap3A_168], %add3A_166 {strides = array<i32>} : memref<40x256xf32, #tpu.memory_space<vmem>>, vector<16xf32>,
        %get3A_170 = arith.index_cast %scan3A_148 : i32 to index
        %get3A_171 = arith.constant 32 : index
        %get3A_172 = tpu.vector_load %arg12[%get3A_170, %get3A_171] {strides = array<i32>} : memref<40x256xf32, #tpu.memory_space<vmem>>, vector<16xf32>,
        %get3A_173 = arith.index_cast %scan3A_148 : i32 to index
        %get3A_174 = arith.constant 32 : index
        %get3A_175 = tpu.vector_load %arg14[%get3A_173, %get3A_174] {strides = array<i32>} : memref<40x256xf32, #tpu.memory_space<vmem>>, vector<16xf32>,
        %add3A_176 = arith.addf %get3A_172, %get3A_175 : vector<16xf32>
        %add3A_177 = arith.addf %add3A_176, %get3A_5 : vector<16xf32>
        %swap3A_178 = arith.index_cast %scan3A_148 : i32 to index
        %swap3A_179 = arith.constant 32 : index
        %swap3A_180 = tpu.vector_load %arg12[%swap3A_178, %swap3A_179] {strides = array<i32>} : memref<40x256xf32, #tpu.memory_space<vmem>>, vector<16xf32>,
        tpu.vector_store %arg12[%swap3A_178, %swap3A_179], %add3A_177 {strides = array<i32>} : memref<40x256xf32, #tpu.memory_space<vmem>>, vector<16xf32>,
        %get3A_181 = arith.index_cast %scan3A_148 : i32 to index
        %get3A_182 = arith.constant 48 : index
        %get3A_183 = tpu.vector_load %arg12[%get3A_181, %get3A_182] {strides = array<i32>} : memref<40x256xf32, #tpu.memory_space<vmem>>, vector<16xf32>,
        %get3A_184 = arith.index_cast %scan3A_148 : i32 to index
        %get3A_185 = arith.constant 48 : index
        %get3A_186 = tpu.vector_load %arg14[%get3A_184, %get3A_185] {strides = array<i32>} : memref<40x256xf32, #tpu.memory_space<vmem>>, vector<16xf32>,
        %add3A_187 = arith.addf %get3A_183, %get3A_186 : vector<16xf32>
        %add3A_188 = arith.addf %add3A_187, %get3A_7 : vector<16xf32>
        %swap3A_189 = arith.index_cast %scan3A_148 : i32 to index
        %swap3A_190 = arith.constant 48 : index
        %swap3A_191 = tpu.vector_load %arg12[%swap3A_189, %swap3A_190] {strides = array<i32>} : memref<40x256xf32, #tpu.memory_space<vmem>>, vector<16xf32>,
        tpu.vector_store %arg12[%swap3A_189, %swap3A_190], %add3A_188 {strides = array<i32>} : memref<40x256xf32, #tpu.memory_space<vmem>>, vector<16xf32>,
        %get3A_192 = arith.index_cast %scan3A_148 : i32 to index
        %get3A_193 = arith.constant 64 : index
        %get3A_194 = tpu.vector_load %arg12[%get3A_192, %get3A_193] {strides = array<i32>} : memref<40x256xf32, #tpu.memory_space<vmem>>, vector<16xf32>,
        %get3A_195 = arith.index_cast %scan3A_148 : i32 to index
        %get3A_196 = arith.constant 64 : index
        %get3A_197 = tpu.vector_load %arg14[%get3A_195, %get3A_196] {strides = array<i32>} : memref<40x256xf32, #tpu.memory_space<vmem>>, vector<16xf32>,
        %add3A_198 = arith.addf %get3A_194, %get3A_197 : vector<16xf32>
        %add3A_199 = arith.addf %add3A_198, %get3A_9 : vector<16xf32>
        %swap3A_200 = arith.index_cast %scan3A_148 : i32 to index
        %swap3A_201 = arith.constant 64 : index
        %swap3A_202 = tpu.vector_load %arg12[%swap3A_200, %swap3A_201] {strides = array<i32>} : memref<40x256xf32, #tpu.memory_space<vmem>>, vector<16xf32>,
        tpu.vector_store %arg12[%swap3A_200, %swap3A_201], %add3A_199 {strides = array<i32>} : memref<40x256xf32, #tpu.memory_space<vmem>>, vector<16xf32>,
        %get3A_203 = arith.index_cast %scan3A_148 : i32 to index
        %get3A_204 = arith.constant 80 : index
        %get3A_205 = tpu.vector_load %arg12[%get3A_203, %get3A_204] {strides = array<i32>} : memref<40x256xf32, #tpu.memory_space<vmem>>, vector<16xf32>,
        %get3A_206 = arith.index_cast %scan3A_148 : i32 to index
        %get3A_207 = arith.constant 80 : index
        %get3A_208 = tpu.vector_load %arg14[%get3A_206, %get3A_207] {strides = array<i32>} : memref<40x256xf32, #tpu.memory_space<vmem>>, vector<16xf32>,
        %add3A_209 = arith.addf %get3A_205, %get3A_208 : vector<16xf32>
        %add3A_210 = arith.addf %add3A_209, %get3A_11 : vector<16xf32>
        %swap3A_211 = arith.index_cast %scan3A_148 : i32 to index
        %swap3A_212 = arith.constant 80 : index
        %swap3A_213 = tpu.vector_load %arg12[%swap3A_211, %swap3A_212] {strides = array<i32>} : memref<40x256xf32, #tpu.memory_space<vmem>>, vector<16xf32>,
        tpu.vector_store %arg12[%swap3A_211, %swap3A_212], %add3A_210 {strides = array<i32>} : memref<40x256xf32, #tpu.memory_space<vmem>>, vector<16xf32>,
        %get3A_214 = arith.index_cast %scan3A_148 : i32 to index
        %get3A_215 = arith.constant 96 : index
        %get3A_216 = tpu.vector_load %arg12[%get3A_214, %get3A_215] {strides = array<i32>} : memref<40x256xf32, #tpu.memory_space<vmem>>, vector<16xf32>,
        %get3A_217 = arith.index_cast %scan3A_148 : i32 to index
        %get3A_218 = arith.constant 96 : index
        %get3A_219 = tpu.vector_load %arg14[%get3A_217, %get3A_218] {strides = array<i32>} : memref<40x256xf32, #tpu.memory_space<vmem>>, vector<16xf32>,
        %add3A_220 = arith.addf %get3A_216, %get3A_219 : vector<16xf32>
        %add3A_221 = arith.addf %add3A_220, %get3A_13 : vector<16xf32>
        %swap3A_222 = arith.index_cast %scan3A_148 : i32 to index
        %swap3A_223 = arith.constant 96 : index
        %swap3A_224 = tpu.vector_load %arg12[%swap3A_222, %swap3A_223] {strides = array<i32>} : memref<40x256xf32, #tpu.memory_space<vmem>>, vector<16xf32>,
        tpu.vector_store %arg12[%swap3A_222, %swap3A_223], %add3A_221 {strides = array<i32>} : memref<40x256xf32, #tpu.memory_space<vmem>>, vector<16xf32>,
        %get3A_225 = arith.index_cast %scan3A_148 : i32 to index
        %get3A_226 = arith.constant 112 : index
        %get3A_227 = tpu.vector_load %arg12[%get3A_225, %get3A_226] {strides = array<i32>} : memref<40x256xf32, #tpu.memory_space<vmem>>, vector<16xf32>,
        %get3A_228 = arith.index_cast %scan3A_148 : i32 to index
        %get3A_229 = arith.constant 112 : index
        %get3A_230 = tpu.vector_load %arg14[%get3A_228, %get3A_229] {strides = array<i32>} : memref<40x256xf32, #tpu.memory_space<vmem>>, vector<16xf32>,
        %add3A_231 = arith.addf %get3A_227, %get3A_230 : vector<16xf32>
        %add3A_232 = arith.addf %add3A_231, %get3A_15 : vector<16xf32>
        %swap3A_233 = arith.index_cast %scan3A_148 : i32 to index
        %swap3A_234 = arith.constant 112 : index
        %swap3A_235 = tpu.vector_load %arg12[%swap3A_233, %swap3A_234] {strides = array<i32>} : memref<40x256xf32, #tpu.memory_space<vmem>>, vector<16xf32>,
        tpu.vector_store %arg12[%swap3A_233, %swap3A_234], %add3A_232 {strides = array<i32>} : memref<40x256xf32, #tpu.memory_space<vmem>>, vector<16xf32>,
        %get3A_236 = arith.index_cast %scan3A_148 : i32 to index
        %get3A_237 = arith.constant 128 : index
        %get3A_238 = tpu.vector_load %arg12[%get3A_236, %get3A_237] {strides = array<i32>} : memref<40x256xf32, #tpu.memory_space<vmem>>, vector<16xf32>,
        %get3A_239 = arith.index_cast %scan3A_148 : i32 to index
        %get3A_240 = arith.constant 128 : index
        %get3A_241 = tpu.vector_load %arg14[%get3A_239, %get3A_240] {strides = array<i32>} : memref<40x256xf32, #tpu.memory_space<vmem>>, vector<16xf32>,
        %add3A_242 = arith.addf %get3A_238, %get3A_241 : vector<16xf32>
        %add3A_243 = arith.addf %add3A_242, %get3A_17 : vector<16xf32>
        %swap3A_244 = arith.index_cast %scan3A_148 : i32 to index
        %swap3A_245 = arith.constant 128 : index
        %swap3A_246 = tpu.vector_load %arg12[%swap3A_244, %swap3A_245] {strides = array<i32>} : memref<40x256xf32, #tpu.memory_space<vmem>>, vector<16xf32>,
        tpu.vector_store %arg12[%swap3A_244, %swap3A_245], %add3A_243 {strides = array<i32>} : memref<40x256xf32, #tpu.memory_space<vmem>>, vector<16xf32>,
        %get3A_247 = arith.index_cast %scan3A_148 : i32 to index
        %get3A_248 = arith.constant 144 : index
        %get3A_249 = tpu.vector_load %arg12[%get3A_247, %get3A_248] {strides = array<i32>} : memref<40x256xf32, #tpu.memory_space<vmem>>, vector<16xf32>,
        %get3A_250 = arith.index_cast %scan3A_148 : i32 to index
        %get3A_251 = arith.constant 144 : index
        %get3A_252 = tpu.vector_load %arg14[%get3A_250, %get3A_251] {strides = array<i32>} : memref<40x256xf32, #tpu.memory_space<vmem>>, vector<16xf32>,
        %add3A_253 = arith.addf %get3A_249, %get3A_252 : vector<16xf32>
        %add3A_254 = arith.addf %add3A_253, %get3A_19 : vector<16xf32>
        %swap3A_255 = arith.index_cast %scan3A_148 : i32 to index
        %swap3A_256 = arith.constant 144 : index
        %swap3A_257 = tpu.vector_load %arg12[%swap3A_255, %swap3A_256] {strides = array<i32>} : memref<40x256xf32, #tpu.memory_space<vmem>>, vector<16xf32>,
        tpu.vector_store %arg12[%swap3A_255, %swap3A_256], %add3A_254 {strides = array<i32>} : memref<40x256xf32, #tpu.memory_space<vmem>>, vector<16xf32>,
        %get3A_258 = arith.index_cast %scan3A_148 : i32 to index
        %get3A_259 = arith.constant 160 : index
        %get3A_260 = tpu.vector_load %arg12[%get3A_258, %get3A_259] {strides = array<i32>} : memref<40x256xf32, #tpu.memory_space<vmem>>, vector<16xf32>,
        %get3A_261 = arith.index_cast %scan3A_148 : i32 to index
        %get3A_262 = arith.constant 160 : index
        %get3A_263 = tpu.vector_load %arg14[%get3A_261, %get3A_262] {strides = array<i32>} : memref<40x256xf32, #tpu.memory_space<vmem>>, vector<16xf32>,
        %add3A_264 = arith.addf %get3A_260, %get3A_263 : vector<16xf32>
        %add3A_265 = arith.addf %add3A_264, %get3A_21 : vector<16xf32>
        %swap3A_266 = arith.index_cast %scan3A_148 : i32 to index
        %swap3A_267 = arith.constant 160 : index
        %swap3A_268 = tpu.vector_load %arg12[%swap3A_266, %swap3A_267] {strides = array<i32>} : memref<40x256xf32, #tpu.memory_space<vmem>>, vector<16xf32>,
        tpu.vector_store %arg12[%swap3A_266, %swap3A_267], %add3A_265 {strides = array<i32>} : memref<40x256xf32, #tpu.memory_space<vmem>>, vector<16xf32>,
        %get3A_269 = arith.index_cast %scan3A_148 : i32 to index
        %get3A_270 = arith.constant 176 : index
        %get3A_271 = tpu.vector_load %arg12[%get3A_269, %get3A_270] {strides = array<i32>} : memref<40x256xf32, #tpu.memory_space<vmem>>, vector<16xf32>,
        %get3A_272 = arith.index_cast %scan3A_148 : i32 to index
        %get3A_273 = arith.constant 176 : index
        %get3A_274 = tpu.vector_load %arg14[%get3A_272, %get3A_273] {strides = array<i32>} : memref<40x256xf32, #tpu.memory_space<vmem>>, vector<16xf32>,
        %add3A_275 = arith.addf %get3A_271, %get3A_274 : vector<16xf32>
        %add3A_276 = arith.addf %add3A_275, %get3A_23 : vector<16xf32>
        %swap3A_277 = arith.index_cast %scan3A_148 : i32 to index
        %swap3A_278 = arith.constant 176 : index
        %swap3A_279 = tpu.vector_load %arg12[%swap3A_277, %swap3A_278] {strides = array<i32>} : memref<40x256xf32, #tpu.memory_space<vmem>>, vector<16xf32>,
        tpu.vector_store %arg12[%swap3A_277, %swap3A_278], %add3A_276 {strides = array<i32>} : memref<40x256xf32, #tpu.memory_space<vmem>>, vector<16xf32>,
        %get3A_280 = arith.index_cast %scan3A_148 : i32 to index
        %get3A_281 = arith.constant 192 : index
        %get3A_282 = tpu.vector_load %arg12[%get3A_280, %get3A_281] {strides = array<i32>} : memref<40x256xf32, #tpu.memory_space<vmem>>, vector<16xf32>,
        %get3A_283 = arith.index_cast %scan3A_148 : i32 to index
        %get3A_284 = arith.constant 192 : index
        %get3A_285 = tpu.vector_load %arg14[%get3A_283, %get3A_284] {strides = array<i32>} : memref<40x256xf32, #tpu.memory_space<vmem>>, vector<16xf32>,
        %add3A_286 = arith.addf %get3A_282, %get3A_285 : vector<16xf32>
        %add3A_287 = arith.addf %add3A_286, %get3A_25 : vector<16xf32>
        %swap3A_288 = arith.index_cast %scan3A_148 : i32 to index
        %swap3A_289 = arith.constant 192 : index
        %swap3A_290 = tpu.vector_load %arg12[%swap3A_288, %swap3A_289] {strides = array<i32>} : memref<40x256xf32, #tpu.memory_space<vmem>>, vector<16xf32>,
        tpu.vector_store %arg12[%swap3A_288, %swap3A_289], %add3A_287 {strides = array<i32>} : memref<40x256xf32, #tpu.memory_space<vmem>>, vector<16xf32>,
        %get3A_291 = arith.index_cast %scan3A_148 : i32 to index
        %get3A_292 = arith.constant 208 : index
        %get3A_293 = tpu.vector_load %arg12[%get3A_291, %get3A_292] {strides = array<i32>} : memref<40x256xf32, #tpu.memory_space<vmem>>, vector<16xf32>,
        %get3A_294 = arith.index_cast %scan3A_148 : i32 to index
        %get3A_295 = arith.constant 208 : index
        %get3A_296 = tpu.vector_load %arg14[%get3A_294, %get3A_295] {strides = array<i32>} : memref<40x256xf32, #tpu.memory_space<vmem>>, vector<16xf32>,
        %add3A_297 = arith.addf %get3A_293, %get3A_296 : vector<16xf32>
        %add3A_298 = arith.addf %add3A_297, %get3A_27 : vector<16xf32>
        %swap3A_299 = arith.index_cast %scan3A_148 : i32 to index
        %swap3A_300 = arith.constant 208 : index
        %swap3A_301 = tpu.vector_load %arg12[%swap3A_299, %swap3A_300] {strides = array<i32>} : memref<40x256xf32, #tpu.memory_space<vmem>>, vector<16xf32>,
        tpu.vector_store %arg12[%swap3A_299, %swap3A_300], %add3A_298 {strides = array<i32>} : memref<40x256xf32, #tpu.memory_space<vmem>>, vector<16xf32>,
        %get3A_302 = arith.index_cast %scan3A_148 : i32 to index
        %get3A_303 = arith.constant 224 : index
        %get3A_304 = tpu.vector_load %arg12[%get3A_302, %get3A_303] {strides = array<i32>} : memref<40x256xf32, #tpu.memory_space<vmem>>, vector<16xf32>,
        %get3A_305 = arith.index_cast %scan3A_148 : i32 to index
        %get3A_306 = arith.constant 224 : index
        %get3A_307 = tpu.vector_load %arg14[%get3A_305, %get3A_306] {strides = array<i32>} : memref<40x256xf32, #tpu.memory_space<vmem>>, vector<16xf32>,
        %add3A_308 = arith.addf %get3A_304, %get3A_307 : vector<16xf32>
        %add3A_309 = arith.addf %add3A_308, %get3A_29 : vector<16xf32>
        %swap3A_310 = arith.index_cast %scan3A_148 : i32 to index
        %swap3A_311 = arith.constant 224 : index
        %swap3A_312 = tpu.vector_load %arg12[%swap3A_310, %swap3A_311] {strides = array<i32>} : memref<40x256xf32, #tpu.memory_space<vmem>>, vector<16xf32>,
        tpu.vector_store %arg12[%swap3A_310, %swap3A_311], %add3A_309 {strides = array<i32>} : memref<40x256xf32, #tpu.memory_space<vmem>>, vector<16xf32>,
        %get3A_313 = arith.index_cast %scan3A_148 : i32 to index
        %get3A_314 = arith.constant 240 : index
        %get3A_315 = tpu.vector_load %arg12[%get3A_313, %get3A_314] {strides = array<i32>} : memref<40x256xf32, #tpu.memory_space<vmem>>, vector<16xf32>,
        %get3A_316 = arith.index_cast %scan3A_148 : i32 to index
        %get3A_317 = arith.constant 240 : index
        %get3A_318 = tpu.vector_load %arg14[%get3A_316, %get3A_317] {strides = array<i32>} : memref<40x256xf32, #tpu.memory_space<vmem>>, vector<16xf32>,
        %add3A_319 = arith.addf %get3A_315, %get3A_318 : vector<16xf32>
        %add3A_320 = arith.addf %add3A_319, %get3A_31 : vector<16xf32>
        %swap3A_321 = arith.index_cast %scan3A_148 : i32 to index
        %swap3A_322 = arith.constant 240 : index
        %swap3A_323 = tpu.vector_load %arg12[%swap3A_321, %swap3A_322] {strides = array<i32>} : memref<40x256xf32, #tpu.memory_space<vmem>>, vector<16xf32>,
        tpu.vector_store %arg12[%swap3A_321, %swap3A_322], %add3A_320 {strides = array<i32>} : memref<40x256xf32, #tpu.memory_space<vmem>>, vector<16xf32>,
      }
      %scan3A_102 = arith.constant 40 : i32
      %mul3A_103 = arith.constant 5000 : i32
      %mul3A_104 = arith.muli %add3A, %mul3A_103 : i32
      %mul3A_105 = arith.constant 40 : i32
      %mul3A_106 = arith.muli %add3A_71, %mul3A_105 : i32
      %add3A_107 = arith.addi %mul3A_104, %mul3A_106 : i32
      "tpu.region"() ({
        %run_scoped3A = tpu.sem_alloc : memref<!tpu.dma_semaphore, #tpu.memory_space<semaphore_mem>>
        %dma_start3A_148 = arith.constant 0 : i32
        %dma_start3A_149 = tpu.memref_slice %arg7[%add3A_107, %dma_start3A_148] : memref<160000x256xf32, #tpu.memory_space<hbm>> -> memref<40x256xf32, #tpu.memory_space<hbm>>
        %dma_start3A_150 = arith.constant 0 : i32
        %dma_start3A_151 = tpu.memref_slice %arg7[%add3A_107, %dma_start3A_150] : memref<160000x256xf32, #tpu.memory_space<hbm>> -> memref<40x256xf32, #tpu.memory_space<hbm>>
        tpu.enqueue_dma source(%arg12 : memref<40x256xf32, #tpu.memory_space<vmem>>) target(%dma_start3A_151 : memref<40x256xf32, #tpu.memory_space<hbm>>) target_semaphore(%run_scoped3A : memref<!tpu.dma_semaphore, #tpu.memory_space<semaphore_mem>>)
        %dma_wait3A_152 = arith.constant 0 : i32
        %dma_wait3A_153 = tpu.memref_slice %arg7[%add3A_107, %dma_wait3A_152] : memref<160000x256xf32, #tpu.memory_space<hbm>> -> memref<40x256xf32, #tpu.memory_space<hbm>>
        %dma_wait3A_154 = arith.constant 0 : i32
        %dma_wait3A_155 = tpu.memref_slice %arg7[%add3A_107, %dma_wait3A_154] : memref<160000x256xf32, #tpu.memory_space<hbm>> -> memref<40x256xf32, #tpu.memory_space<hbm>>
        tpu.wait_dma2 semaphore(%run_scoped3A : memref<!tpu.dma_semaphore, #tpu.memory_space<semaphore_mem>>) src(%arg12 : memref<40x256xf32, #tpu.memory_space<vmem>>) dst(%dma_wait3A_155 : memref<40x256xf32, #tpu.memory_space<hbm>>)
        tpu.yield
      }) : () -> ()
      %mul3A_108 = arith.constant 2 : i32
      %mul3A_109 = arith.muli %mul3A_108, %scan3A_67 : i32
      %add3A_110 = arith.constant 1 : i32
      %add3A_111 = arith.addi %mul3A_109, %add3A_110 : i32
      %add3A_112 = arith.constant 1 : i32
      %add3A_113 = arith.addi %add3A_111, %add3A_112 : i32
      %mul3A_114 = arith.constant 5000 : i32
      %mul3A_115 = arith.muli %add3A, %mul3A_114 : i32
      %mul3A_116 = arith.constant 40 : i32
      %mul3A_117 = arith.muli %add3A_113, %mul3A_116 : i32
      %add3A_118 = arith.addi %mul3A_115, %mul3A_117 : i32
      "tpu.region"() ({
        %run_scoped3A = tpu.sem_alloc : memref<!tpu.dma_semaphore, #tpu.memory_space<semaphore_mem>>
        %dma_start3A_148 = tpu.memref_slice %arg4[%add3A_118] : memref<160000xi32, #tpu.memory_space<hbm>> -> memref<40xi32, #tpu.memory_space<hbm>>
        %dma_start3A_149 = tpu.memref_slice %arg4[%add3A_118] : memref<160000xi32, #tpu.memory_space<hbm>> -> memref<40xi32, #tpu.memory_space<hbm>>
        tpu.enqueue_dma source(%dma_start3A_149 : memref<40xi32, #tpu.memory_space<hbm>>) target(%arg8 : memref<40xi32, #tpu.memory_space<vmem>>) target_semaphore(%run_scoped3A : memref<!tpu.dma_semaphore, #tpu.memory_space<semaphore_mem>>)
        %dma_wait3A_150 = tpu.memref_slice %arg4[%add3A_118] : memref<160000xi32, #tpu.memory_space<hbm>> -> memref<40xi32, #tpu.memory_space<hbm>>
        %dma_wait3A_151 = tpu.memref_slice %arg4[%add3A_118] : memref<160000xi32, #tpu.memory_space<hbm>> -> memref<40xi32, #tpu.memory_space<hbm>>
        tpu.wait_dma2 semaphore(%run_scoped3A : memref<!tpu.dma_semaphore, #tpu.memory_space<semaphore_mem>>) src(%dma_wait3A_151 : memref<40xi32, #tpu.memory_space<hbm>>) dst(%arg8 : memref<40xi32, #tpu.memory_space<vmem>>)
        tpu.yield
      }) : () -> ()
      "tpu.region"() ({
        %run_scoped3A = tpu.sem_alloc : memref<!tpu.dma_semaphore, #tpu.memory_space<semaphore_mem>>
        %dma_start3A_148 = tpu.memref_slice %arg5[%add3A_118] : memref<160000xi32, #tpu.memory_space<hbm>> -> memref<40xi32, #tpu.memory_space<hbm>>
        %dma_start3A_149 = tpu.memref_slice %arg5[%add3A_118] : memref<160000xi32, #tpu.memory_space<hbm>> -> memref<40xi32, #tpu.memory_space<hbm>>
        tpu.enqueue_dma source(%dma_start3A_149 : memref<40xi32, #tpu.memory_space<hbm>>) target(%arg10 : memref<40xi32, #tpu.memory_space<vmem>>) target_semaphore(%run_scoped3A : memref<!tpu.dma_semaphore, #tpu.memory_space<semaphore_mem>>)
        %dma_wait3A_150 = tpu.memref_slice %arg5[%add3A_118] : memref<160000xi32, #tpu.memory_space<hbm>> -> memref<40xi32, #tpu.memory_space<hbm>>
        %dma_wait3A_151 = tpu.memref_slice %arg5[%add3A_118] : memref<160000xi32, #tpu.memory_space<hbm>> -> memref<40xi32, #tpu.memory_space<hbm>>
        tpu.wait_dma2 semaphore(%run_scoped3A : memref<!tpu.dma_semaphore, #tpu.memory_space<semaphore_mem>>) src(%dma_wait3A_151 : memref<40xi32, #tpu.memory_space<hbm>>) dst(%arg10 : memref<40xi32, #tpu.memory_space<vmem>>)
        tpu.yield
      }) : () -> ()
      %dma_start3A_119 = arith.constant 0 : i32
      %dma_start3A_120 = arith.constant 0 : i32
      %dma_start3A_121 = tpu.memref_slice %arg2[%dma_start3A_119, %dma_start3A_120] : memref<10000x256xf32, #tpu.memory_space<hbm>> -> memref<10000x256xf32, #tpu.memory_space<hbm>>
      tpu.enqueue_indirect_dma source(%dma_start3A_121 : memref<10000x256xf32, #tpu.memory_space<hbm>>) target(%arg12 : memref<40x256xf32, #tpu.memory_space<vmem>>) offsets(%arg8 : memref<40xi32, #tpu.memory_space<vmem>>) semaphore(%arg17 : memref<!tpu.dma_semaphore, #tpu.memory_space<semaphore_mem>>)
      %dma_start3A_122 = arith.constant 0 : i32
      %dma_start3A_123 = arith.constant 0 : i32
      %dma_start3A_124 = tpu.memref_slice %arg3[%dma_start3A_122, %dma_start3A_123] : memref<10000x256xf32, #tpu.memory_space<hbm>> -> memref<10000x256xf32, #tpu.memory_space<hbm>>
      tpu.enqueue_indirect_dma source(%dma_start3A_124 : memref<10000x256xf32, #tpu.memory_space<hbm>>) target(%arg14 : memref<40x256xf32, #tpu.memory_space<vmem>>) offsets(%arg10 : memref<40xi32, #tpu.memory_space<vmem>>) semaphore(%arg17 : memref<!tpu.dma_semaphore, #tpu.memory_space<semaphore_mem>>)
      %dma_wait3A_125 = arith.constant 0 : i32
      %dma_wait3A_126 = arith.constant 0 : i32
      %dma_wait3A_127 = tpu.memref_slice %arg2[%dma_wait3A_125, %dma_wait3A_126] : memref<10000x256xf32, #tpu.memory_space<hbm>> -> memref<40x256xf32, #tpu.memory_space<hbm>>
      %dma_wait3A_128 = arith.constant 0 : i32
      %dma_wait3A_129 = arith.constant 0 : i32
      %dma_wait3A_130 = tpu.memref_slice %arg2[%dma_wait3A_128, %dma_wait3A_129] : memref<10000x256xf32, #tpu.memory_space<hbm>> -> memref<40x256xf32, #tpu.memory_space<hbm>>
      tpu.wait_dma2 semaphore(%arg18 : memref<!tpu.dma_semaphore, #tpu.memory_space<semaphore_mem>>) src(%dma_wait3A_130 : memref<40x256xf32, #tpu.memory_space<hbm>>) dst(%arg13 : memref<40x256xf32, #tpu.memory_space<vmem>>)
      %dma_wait3A_131 = arith.constant 0 : i32
      %dma_wait3A_132 = arith.constant 0 : i32
      %dma_wait3A_133 = tpu.memref_slice %arg3[%dma_wait3A_131, %dma_wait3A_132] : memref<10000x256xf32, #tpu.memory_space<hbm>> -> memref<40x256xf32, #tpu.memory_space<hbm>>
      %dma_wait3A_134 = arith.constant 0 : i32
      %dma_wait3A_135 = arith.constant 0 : i32
      %dma_wait3A_136 = tpu.memref_slice %arg3[%dma_wait3A_134, %dma_wait3A_135] : memref<10000x256xf32, #tpu.memory_space<hbm>> -> memref<40x256xf32, #tpu.memory_space<hbm>>
      tpu.wait_dma2 semaphore(%arg18 : memref<!tpu.dma_semaphore, #tpu.memory_space<semaphore_mem>>) src(%dma_wait3A_136 : memref<40x256xf32, #tpu.memory_space<hbm>>) dst(%arg15 : memref<40x256xf32, #tpu.memory_space<vmem>>)
      %scan3A_137 = arith.constant 0 : i32
      %scan3A_138 = arith.constant 0 : i32
      %scan3A_139 = arith.constant 40 : i32
      %scan3A_140 = arith.addi %scan3A_138, %scan3A_139 : i32
      %scan3A_141 = arith.constant 1 : i32
      scf.for %scan3A_148 = %scan3A_138 to %scan3A_140 step %scan3A_141  : i32 {
        %get3A_149 = arith.index_cast %scan3A_148 : i32 to index
        %get3A_150 = arith.constant 0 : index
        %get3A_151 = tpu.vector_load %arg13[%get3A_149, %get3A_150] {strides = array<i32>} : memref<40x256xf32, #tpu.memory_space<vmem>>, vector<16xf32>,
        %get3A_152 = arith.index_cast %scan3A_148 : i32 to index
        %get3A_153 = arith.constant 0 : index
        %get3A_154 = tpu.vector_load %arg15[%get3A_152, %get3A_153] {strides = array<i32>} : memref<40x256xf32, #tpu.memory_space<vmem>>, vector<16xf32>,
        %add3A_155 = arith.addf %get3A_151, %get3A_154 : vector<16xf32>
        %add3A_156 = arith.addf %add3A_155, %get3A_1 : vector<16xf32>
        %swap3A = arith.index_cast %scan3A_148 : i32 to index
        %swap3A_157 = arith.constant 0 : index
        %swap3A_158 = tpu.vector_load %arg13[%swap3A, %swap3A_157] {strides = array<i32>} : memref<40x256xf32, #tpu.memory_space<vmem>>, vector<16xf32>,
        tpu.vector_store %arg13[%swap3A, %swap3A_157], %add3A_156 {strides = array<i32>} : memref<40x256xf32, #tpu.memory_space<vmem>>, vector<16xf32>,
        %get3A_159 = arith.index_cast %scan3A_148 : i32 to index
        %get3A_160 = arith.constant 16 : index
        %get3A_161 = tpu.vector_load %arg13[%get3A_159, %get3A_160] {strides = array<i32>} : memref<40x256xf32, #tpu.memory_space<vmem>>, vector<16xf32>,
        %get3A_162 = arith.index_cast %scan3A_148 : i32 to index
        %get3A_163 = arith.constant 16 : index
        %get3A_164 = tpu.vector_load %arg15[%get3A_162, %get3A_163] {strides = array<i32>} : memref<40x256xf32, #tpu.memory_space<vmem>>, vector<16xf32>,
        %add3A_165 = arith.addf %get3A_161, %get3A_164 : vector<16xf32>
        %add3A_166 = arith.addf %add3A_165, %get3A_3 : vector<16xf32>
        %swap3A_167 = arith.index_cast %scan3A_148 : i32 to index
        %swap3A_168 = arith.constant 16 : index
        %swap3A_169 = tpu.vector_load %arg13[%swap3A_167, %swap3A_168] {strides = array<i32>} : memref<40x256xf32, #tpu.memory_space<vmem>>, vector<16xf32>,
        tpu.vector_store %arg13[%swap3A_167, %swap3A_168], %add3A_166 {strides = array<i32>} : memref<40x256xf32, #tpu.memory_space<vmem>>, vector<16xf32>,
        %get3A_170 = arith.index_cast %scan3A_148 : i32 to index
        %get3A_171 = arith.constant 32 : index
        %get3A_172 = tpu.vector_load %arg13[%get3A_170, %get3A_171] {strides = array<i32>} : memref<40x256xf32, #tpu.memory_space<vmem>>, vector<16xf32>,
        %get3A_173 = arith.index_cast %scan3A_148 : i32 to index
        %get3A_174 = arith.constant 32 : index
        %get3A_175 = tpu.vector_load %arg15[%get3A_173, %get3A_174] {strides = array<i32>} : memref<40x256xf32, #tpu.memory_space<vmem>>, vector<16xf32>,
        %add3A_176 = arith.addf %get3A_172, %get3A_175 : vector<16xf32>
        %add3A_177 = arith.addf %add3A_176, %get3A_5 : vector<16xf32>
        %swap3A_178 = arith.index_cast %scan3A_148 : i32 to index
        %swap3A_179 = arith.constant 32 : index
        %swap3A_180 = tpu.vector_load %arg13[%swap3A_178, %swap3A_179] {strides = array<i32>} : memref<40x256xf32, #tpu.memory_space<vmem>>, vector<16xf32>,
        tpu.vector_store %arg13[%swap3A_178, %swap3A_179], %add3A_177 {strides = array<i32>} : memref<40x256xf32, #tpu.memory_space<vmem>>, vector<16xf32>,
        %get3A_181 = arith.index_cast %scan3A_148 : i32 to index
        %get3A_182 = arith.constant 48 : index
        %get3A_183 = tpu.vector_load %arg13[%get3A_181, %get3A_182] {strides = array<i32>} : memref<40x256xf32, #tpu.memory_space<vmem>>, vector<16xf32>,
        %get3A_184 = arith.index_cast %scan3A_148 : i32 to index
        %get3A_185 = arith.constant 48 : index
        %get3A_186 = tpu.vector_load %arg15[%get3A_184, %get3A_185] {strides = array<i32>} : memref<40x256xf32, #tpu.memory_space<vmem>>, vector<16xf32>,
        %add3A_187 = arith.addf %get3A_183, %get3A_186 : vector<16xf32>
        %add3A_188 = arith.addf %add3A_187, %get3A_7 : vector<16xf32>
        %swap3A_189 = arith.index_cast %scan3A_148 : i32 to index
        %swap3A_190 = arith.constant 48 : index
        %swap3A_191 = tpu.vector_load %arg13[%swap3A_189, %swap3A_190] {strides = array<i32>} : memref<40x256xf32, #tpu.memory_space<vmem>>, vector<16xf32>,
        tpu.vector_store %arg13[%swap3A_189, %swap3A_190], %add3A_188 {strides = array<i32>} : memref<40x256xf32, #tpu.memory_space<vmem>>, vector<16xf32>,
        %get3A_192 = arith.index_cast %scan3A_148 : i32 to index
        %get3A_193 = arith.constant 64 : index
        %get3A_194 = tpu.vector_load %arg13[%get3A_192, %get3A_193] {strides = array<i32>} : memref<40x256xf32, #tpu.memory_space<vmem>>, vector<16xf32>,
        %get3A_195 = arith.index_cast %scan3A_148 : i32 to index
        %get3A_196 = arith.constant 64 : index
        %get3A_197 = tpu.vector_load %arg15[%get3A_195, %get3A_196] {strides = array<i32>} : memref<40x256xf32, #tpu.memory_space<vmem>>, vector<16xf32>,
        %add3A_198 = arith.addf %get3A_194, %get3A_197 : vector<16xf32>
        %add3A_199 = arith.addf %add3A_198, %get3A_9 : vector<16xf32>
        %swap3A_200 = arith.index_cast %scan3A_148 : i32 to index
        %swap3A_201 = arith.constant 64 : index
        %swap3A_202 = tpu.vector_load %arg13[%swap3A_200, %swap3A_201] {strides = array<i32>} : memref<40x256xf32, #tpu.memory_space<vmem>>, vector<16xf32>,
        tpu.vector_store %arg13[%swap3A_200, %swap3A_201], %add3A_199 {strides = array<i32>} : memref<40x256xf32, #tpu.memory_space<vmem>>, vector<16xf32>,
        %get3A_203 = arith.index_cast %scan3A_148 : i32 to index
        %get3A_204 = arith.constant 80 : index
        %get3A_205 = tpu.vector_load %arg13[%get3A_203, %get3A_204] {strides = array<i32>} : memref<40x256xf32, #tpu.memory_space<vmem>>, vector<16xf32>,
        %get3A_206 = arith.index_cast %scan3A_148 : i32 to index
        %get3A_207 = arith.constant 80 : index
        %get3A_208 = tpu.vector_load %arg15[%get3A_206, %get3A_207] {strides = array<i32>} : memref<40x256xf32, #tpu.memory_space<vmem>>, vector<16xf32>,
        %add3A_209 = arith.addf %get3A_205, %get3A_208 : vector<16xf32>
        %add3A_210 = arith.addf %add3A_209, %get3A_11 : vector<16xf32>
        %swap3A_211 = arith.index_cast %scan3A_148 : i32 to index
        %swap3A_212 = arith.constant 80 : index
        %swap3A_213 = tpu.vector_load %arg13[%swap3A_211, %swap3A_212] {strides = array<i32>} : memref<40x256xf32, #tpu.memory_space<vmem>>, vector<16xf32>,
        tpu.vector_store %arg13[%swap3A_211, %swap3A_212], %add3A_210 {strides = array<i32>} : memref<40x256xf32, #tpu.memory_space<vmem>>, vector<16xf32>,
        %get3A_214 = arith.index_cast %scan3A_148 : i32 to index
        %get3A_215 = arith.constant 96 : index
        %get3A_216 = tpu.vector_load %arg13[%get3A_214, %get3A_215] {strides = array<i32>} : memref<40x256xf32, #tpu.memory_space<vmem>>, vector<16xf32>,
        %get3A_217 = arith.index_cast %scan3A_148 : i32 to index
        %get3A_218 = arith.constant 96 : index
        %get3A_219 = tpu.vector_load %arg15[%get3A_217, %get3A_218] {strides = array<i32>} : memref<40x256xf32, #tpu.memory_space<vmem>>, vector<16xf32>,
        %add3A_220 = arith.addf %get3A_216, %get3A_219 : vector<16xf32>
        %add3A_221 = arith.addf %add3A_220, %get3A_13 : vector<16xf32>
        %swap3A_222 = arith.index_cast %scan3A_148 : i32 to index
        %swap3A_223 = arith.constant 96 : index
        %swap3A_224 = tpu.vector_load %arg13[%swap3A_222, %swap3A_223] {strides = array<i32>} : memref<40x256xf32, #tpu.memory_space<vmem>>, vector<16xf32>,
        tpu.vector_store %arg13[%swap3A_222, %swap3A_223], %add3A_221 {strides = array<i32>} : memref<40x256xf32, #tpu.memory_space<vmem>>, vector<16xf32>,
        %get3A_225 = arith.index_cast %scan3A_148 : i32 to index
        %get3A_226 = arith.constant 112 : index
        %get3A_227 = tpu.vector_load %arg13[%get3A_225, %get3A_226] {strides = array<i32>} : memref<40x256xf32, #tpu.memory_space<vmem>>, vector<16xf32>,
        %get3A_228 = arith.index_cast %scan3A_148 : i32 to index
        %get3A_229 = arith.constant 112 : index
        %get3A_230 = tpu.vector_load %arg15[%get3A_228, %get3A_229] {strides = array<i32>} : memref<40x256xf32, #tpu.memory_space<vmem>>, vector<16xf32>,
        %add3A_231 = arith.addf %get3A_227, %get3A_230 : vector<16xf32>
        %add3A_232 = arith.addf %add3A_231, %get3A_15 : vector<16xf32>
        %swap3A_233 = arith.index_cast %scan3A_148 : i32 to index
        %swap3A_234 = arith.constant 112 : index
        %swap3A_235 = tpu.vector_load %arg13[%swap3A_233, %swap3A_234] {strides = array<i32>} : memref<40x256xf32, #tpu.memory_space<vmem>>, vector<16xf32>,
        tpu.vector_store %arg13[%swap3A_233, %swap3A_234], %add3A_232 {strides = array<i32>} : memref<40x256xf32, #tpu.memory_space<vmem>>, vector<16xf32>,
        %get3A_236 = arith.index_cast %scan3A_148 : i32 to index
        %get3A_237 = arith.constant 128 : index
        %get3A_238 = tpu.vector_load %arg13[%get3A_236, %get3A_237] {strides = array<i32>} : memref<40x256xf32, #tpu.memory_space<vmem>>, vector<16xf32>,
        %get3A_239 = arith.index_cast %scan3A_148 : i32 to index
        %get3A_240 = arith.constant 128 : index
        %get3A_241 = tpu.vector_load %arg15[%get3A_239, %get3A_240] {strides = array<i32>} : memref<40x256xf32, #tpu.memory_space<vmem>>, vector<16xf32>,
        %add3A_242 = arith.addf %get3A_238, %get3A_241 : vector<16xf32>
        %add3A_243 = arith.addf %add3A_242, %get3A_17 : vector<16xf32>
        %swap3A_244 = arith.index_cast %scan3A_148 : i32 to index
        %swap3A_245 = arith.constant 128 : index
        %swap3A_246 = tpu.vector_load %arg13[%swap3A_244, %swap3A_245] {strides = array<i32>} : memref<40x256xf32, #tpu.memory_space<vmem>>, vector<16xf32>,
        tpu.vector_store %arg13[%swap3A_244, %swap3A_245], %add3A_243 {strides = array<i32>} : memref<40x256xf32, #tpu.memory_space<vmem>>, vector<16xf32>,
        %get3A_247 = arith.index_cast %scan3A_148 : i32 to index
        %get3A_248 = arith.constant 144 : index
        %get3A_249 = tpu.vector_load %arg13[%get3A_247, %get3A_248] {strides = array<i32>} : memref<40x256xf32, #tpu.memory_space<vmem>>, vector<16xf32>,
        %get3A_250 = arith.index_cast %scan3A_148 : i32 to index
        %get3A_251 = arith.constant 144 : index
        %get3A_252 = tpu.vector_load %arg15[%get3A_250, %get3A_251] {strides = array<i32>} : memref<40x256xf32, #tpu.memory_space<vmem>>, vector<16xf32>,
        %add3A_253 = arith.addf %get3A_249, %get3A_252 : vector<16xf32>
        %add3A_254 = arith.addf %add3A_253, %get3A_19 : vector<16xf32>
        %swap3A_255 = arith.index_cast %scan3A_148 : i32 to index
        %swap3A_256 = arith.constant 144 : index
        %swap3A_257 = tpu.vector_load %arg13[%swap3A_255, %swap3A_256] {strides = array<i32>} : memref<40x256xf32, #tpu.memory_space<vmem>>, vector<16xf32>,
        tpu.vector_store %arg13[%swap3A_255, %swap3A_256], %add3A_254 {strides = array<i32>} : memref<40x256xf32, #tpu.memory_space<vmem>>, vector<16xf32>,
        %get3A_258 = arith.index_cast %scan3A_148 : i32 to index
        %get3A_259 = arith.constant 160 : index
        %get3A_260 = tpu.vector_load %arg13[%get3A_258, %get3A_259] {strides = array<i32>} : memref<40x256xf32, #tpu.memory_space<vmem>>, vector<16xf32>,
        %get3A_261 = arith.index_cast %scan3A_148 : i32 to index
        %get3A_262 = arith.constant 160 : index
        %get3A_263 = tpu.vector_load %arg15[%get3A_261, %get3A_262] {strides = array<i32>} : memref<40x256xf32, #tpu.memory_space<vmem>>, vector<16xf32>,
        %add3A_264 = arith.addf %get3A_260, %get3A_263 : vector<16xf32>
        %add3A_265 = arith.addf %add3A_264, %get3A_21 : vector<16xf32>
        %swap3A_266 = arith.index_cast %scan3A_148 : i32 to index
        %swap3A_267 = arith.constant 160 : index
        %swap3A_268 = tpu.vector_load %arg13[%swap3A_266, %swap3A_267] {strides = array<i32>} : memref<40x256xf32, #tpu.memory_space<vmem>>, vector<16xf32>,
        tpu.vector_store %arg13[%swap3A_266, %swap3A_267], %add3A_265 {strides = array<i32>} : memref<40x256xf32, #tpu.memory_space<vmem>>, vector<16xf32>,
        %get3A_269 = arith.index_cast %scan3A_148 : i32 to index
        %get3A_270 = arith.constant 176 : index
        %get3A_271 = tpu.vector_load %arg13[%get3A_269, %get3A_270] {strides = array<i32>} : memref<40x256xf32, #tpu.memory_space<vmem>>, vector<16xf32>,
        %get3A_272 = arith.index_cast %scan3A_148 : i32 to index
        %get3A_273 = arith.constant 176 : index
        %get3A_274 = tpu.vector_load %arg15[%get3A_272, %get3A_273] {strides = array<i32>} : memref<40x256xf32, #tpu.memory_space<vmem>>, vector<16xf32>,
        %add3A_275 = arith.addf %get3A_271, %get3A_274 : vector<16xf32>
        %add3A_276 = arith.addf %add3A_275, %get3A_23 : vector<16xf32>
        %swap3A_277 = arith.index_cast %scan3A_148 : i32 to index
        %swap3A_278 = arith.constant 176 : index
        %swap3A_279 = tpu.vector_load %arg13[%swap3A_277, %swap3A_278] {strides = array<i32>} : memref<40x256xf32, #tpu.memory_space<vmem>>, vector<16xf32>,
        tpu.vector_store %arg13[%swap3A_277, %swap3A_278], %add3A_276 {strides = array<i32>} : memref<40x256xf32, #tpu.memory_space<vmem>>, vector<16xf32>,
        %get3A_280 = arith.index_cast %scan3A_148 : i32 to index
        %get3A_281 = arith.constant 192 : index
        %get3A_282 = tpu.vector_load %arg13[%get3A_280, %get3A_281] {strides = array<i32>} : memref<40x256xf32, #tpu.memory_space<vmem>>, vector<16xf32>,
        %get3A_283 = arith.index_cast %scan3A_148 : i32 to index
        %get3A_284 = arith.constant 192 : index
        %get3A_285 = tpu.vector_load %arg15[%get3A_283, %get3A_284] {strides = array<i32>} : memref<40x256xf32, #tpu.memory_space<vmem>>, vector<16xf32>,
        %add3A_286 = arith.addf %get3A_282, %get3A_285 : vector<16xf32>
        %add3A_287 = arith.addf %add3A_286, %get3A_25 : vector<16xf32>
        %swap3A_288 = arith.index_cast %scan3A_148 : i32 to index
        %swap3A_289 = arith.constant 192 : index
        %swap3A_290 = tpu.vector_load %arg13[%swap3A_288, %swap3A_289] {strides = array<i32>} : memref<40x256xf32, #tpu.memory_space<vmem>>, vector<16xf32>,
        tpu.vector_store %arg13[%swap3A_288, %swap3A_289], %add3A_287 {strides = array<i32>} : memref<40x256xf32, #tpu.memory_space<vmem>>, vector<16xf32>,
        %get3A_291 = arith.index_cast %scan3A_148 : i32 to index
        %get3A_292 = arith.constant 208 : index
        %get3A_293 = tpu.vector_load %arg13[%get3A_291, %get3A_292] {strides = array<i32>} : memref<40x256xf32, #tpu.memory_space<vmem>>, vector<16xf32>,
        %get3A_294 = arith.index_cast %scan3A_148 : i32 to index
        %get3A_295 = arith.constant 208 : index
        %get3A_296 = tpu.vector_load %arg15[%get3A_294, %get3A_295] {strides = array<i32>} : memref<40x256xf32, #tpu.memory_space<vmem>>, vector<16xf32>,
        %add3A_297 = arith.addf %get3A_293, %get3A_296 : vector<16xf32>
        %add3A_298 = arith.addf %add3A_297, %get3A_27 : vector<16xf32>
        %swap3A_299 = arith.index_cast %scan3A_148 : i32 to index
        %swap3A_300 = arith.constant 208 : index
        %swap3A_301 = tpu.vector_load %arg13[%swap3A_299, %swap3A_300] {strides = array<i32>} : memref<40x256xf32, #tpu.memory_space<vmem>>, vector<16xf32>,
        tpu.vector_store %arg13[%swap3A_299, %swap3A_300], %add3A_298 {strides = array<i32>} : memref<40x256xf32, #tpu.memory_space<vmem>>, vector<16xf32>,
        %get3A_302 = arith.index_cast %scan3A_148 : i32 to index
        %get3A_303 = arith.constant 224 : index
        %get3A_304 = tpu.vector_load %arg13[%get3A_302, %get3A_303] {strides = array<i32>} : memref<40x256xf32, #tpu.memory_space<vmem>>, vector<16xf32>,
        %get3A_305 = arith.index_cast %scan3A_148 : i32 to index
        %get3A_306 = arith.constant 224 : index
        %get3A_307 = tpu.vector_load %arg15[%get3A_305, %get3A_306] {strides = array<i32>} : memref<40x256xf32, #tpu.memory_space<vmem>>, vector<16xf32>,
        %add3A_308 = arith.addf %get3A_304, %get3A_307 : vector<16xf32>
        %add3A_309 = arith.addf %add3A_308, %get3A_29 : vector<16xf32>
        %swap3A_310 = arith.index_cast %scan3A_148 : i32 to index
        %swap3A_311 = arith.constant 224 : index
        %swap3A_312 = tpu.vector_load %arg13[%swap3A_310, %swap3A_311] {strides = array<i32>} : memref<40x256xf32, #tpu.memory_space<vmem>>, vector<16xf32>,
        tpu.vector_store %arg13[%swap3A_310, %swap3A_311], %add3A_309 {strides = array<i32>} : memref<40x256xf32, #tpu.memory_space<vmem>>, vector<16xf32>,
        %get3A_313 = arith.index_cast %scan3A_148 : i32 to index
        %get3A_314 = arith.constant 240 : index
        %get3A_315 = tpu.vector_load %arg13[%get3A_313, %get3A_314] {strides = array<i32>} : memref<40x256xf32, #tpu.memory_space<vmem>>, vector<16xf32>,
        %get3A_316 = arith.index_cast %scan3A_148 : i32 to index
        %get3A_317 = arith.constant 240 : index
        %get3A_318 = tpu.vector_load %arg15[%get3A_316, %get3A_317] {strides = array<i32>} : memref<40x256xf32, #tpu.memory_space<vmem>>, vector<16xf32>,
        %add3A_319 = arith.addf %get3A_315, %get3A_318 : vector<16xf32>
        %add3A_320 = arith.addf %add3A_319, %get3A_31 : vector<16xf32>
        %swap3A_321 = arith.index_cast %scan3A_148 : i32 to index
        %swap3A_322 = arith.constant 240 : index
        %swap3A_323 = tpu.vector_load %arg13[%swap3A_321, %swap3A_322] {strides = array<i32>} : memref<40x256xf32, #tpu.memory_space<vmem>>, vector<16xf32>,
        tpu.vector_store %arg13[%swap3A_321, %swap3A_322], %add3A_320 {strides = array<i32>} : memref<40x256xf32, #tpu.memory_space<vmem>>, vector<16xf32>,
      }
      %scan3A_142 = arith.constant 40 : i32
      %mul3A_143 = arith.constant 5000 : i32
      %mul3A_144 = arith.muli %add3A, %mul3A_143 : i32
      %mul3A_145 = arith.constant 40 : i32
      %mul3A_146 = arith.muli %add3A_111, %mul3A_145 : i32
      %add3A_147 = arith.addi %mul3A_144, %mul3A_146 : i32
      "tpu.region"() ({
        %run_scoped3A = tpu.sem_alloc : memref<!tpu.dma_semaphore, #tpu.memory_space<semaphore_mem>>
        %dma_start3A_148 = arith.constant 0 : i32
        %dma_start3A_149 = tpu.memref_slice %arg7[%add3A_147, %dma_start3A_148] : memref<160000x256xf32, #tpu.memory_space<hbm>> -> memref<40x256xf32, #tpu.memory_space<hbm>>
        %dma_start3A_150 = arith.constant 0 : i32
        %dma_start3A_151 = tpu.memref_slice %arg7[%add3A_147, %dma_start3A_150] : memref<160000x256xf32, #tpu.memory_space<hbm>> -> memref<40x256xf32, #tpu.memory_space<hbm>>
        tpu.enqueue_dma source(%arg13 : memref<40x256xf32, #tpu.memory_space<vmem>>) target(%dma_start3A_151 : memref<40x256xf32, #tpu.memory_space<hbm>>) target_semaphore(%run_scoped3A : memref<!tpu.dma_semaphore, #tpu.memory_space<semaphore_mem>>)
        %dma_wait3A_152 = arith.constant 0 : i32
        %dma_wait3A_153 = tpu.memref_slice %arg7[%add3A_147, %dma_wait3A_152] : memref<160000x256xf32, #tpu.memory_space<hbm>> -> memref<40x256xf32, #tpu.memory_space<hbm>>
        %dma_wait3A_154 = arith.constant 0 : i32
        %dma_wait3A_155 = tpu.memref_slice %arg7[%add3A_147, %dma_wait3A_154] : memref<160000x256xf32, #tpu.memory_space<hbm>> -> memref<40x256xf32, #tpu.memory_space<hbm>>
        tpu.wait_dma2 semaphore(%run_scoped3A : memref<!tpu.dma_semaphore, #tpu.memory_space<semaphore_mem>>) src(%arg13 : memref<40x256xf32, #tpu.memory_space<vmem>>) dst(%dma_wait3A_155 : memref<40x256xf32, #tpu.memory_space<hbm>>)
        tpu.yield
      }) : () -> ()
    }
    %scan3A_45 = arith.constant 62 : i32
    %dma_wait3A = arith.constant 0 : i32
    %dma_wait3A_46 = arith.constant 0 : i32
    %dma_wait3A_47 = tpu.memref_slice %arg2[%dma_wait3A, %dma_wait3A_46] : memref<10000x256xf32, #tpu.memory_space<hbm>> -> memref<40x256xf32, #tpu.memory_space<hbm>>
    %dma_wait3A_48 = arith.constant 0 : i32
    %dma_wait3A_49 = arith.constant 0 : i32
    %dma_wait3A_50 = tpu.memref_slice %arg2[%dma_wait3A_48, %dma_wait3A_49] : memref<10000x256xf32, #tpu.memory_space<hbm>> -> memref<40x256xf32, #tpu.memory_space<hbm>>
    tpu.wait_dma2 semaphore(%arg17 : memref<!tpu.dma_semaphore, #tpu.memory_space<semaphore_mem>>) src(%dma_wait3A_50 : memref<40x256xf32, #tpu.memory_space<hbm>>) dst(%arg12 : memref<40x256xf32, #tpu.memory_space<vmem>>)
    %dma_wait3A_51 = arith.constant 0 : i32
    %dma_wait3A_52 = arith.constant 0 : i32
    %dma_wait3A_53 = tpu.memref_slice %arg3[%dma_wait3A_51, %dma_wait3A_52] : memref<10000x256xf32, #tpu.memory_space<hbm>> -> memref<40x256xf32, #tpu.memory_space<hbm>>
    %dma_wait3A_54 = arith.constant 0 : i32
    %dma_wait3A_55 = arith.constant 0 : i32
    %dma_wait3A_56 = tpu.memref_slice %arg3[%dma_wait3A_54, %dma_wait3A_55] : memref<10000x256xf32, #tpu.memory_space<hbm>> -> memref<40x256xf32, #tpu.memory_space<hbm>>
    tpu.wait_dma2 semaphore(%arg17 : memref<!tpu.dma_semaphore, #tpu.memory_space<semaphore_mem>>) src(%dma_wait3A_56 : memref<40x256xf32, #tpu.memory_space<hbm>>) dst(%arg14 : memref<40x256xf32, #tpu.memory_space<vmem>>)
    %scan3A_57 = arith.constant 0 : i32
    %scan3A_58 = arith.constant 0 : i32
    %scan3A_59 = arith.constant 40 : i32
    %scan3A_60 = arith.addi %scan3A_58, %scan3A_59 : i32
    %scan3A_61 = arith.constant 1 : i32
    scf.for %scan3A_67 = %scan3A_58 to %scan3A_60 step %scan3A_61  : i32 {
      %get3A_68 = arith.index_cast %scan3A_67 : i32 to index
      %get3A_69 = arith.constant 0 : index
      %get3A_70 = tpu.vector_load %arg12[%get3A_68, %get3A_69] {strides = array<i32>} : memref<40x256xf32, #tpu.memory_space<vmem>>, vector<16xf32>,
      %get3A_71 = arith.index_cast %scan3A_67 : i32 to index
      %get3A_72 = arith.constant 0 : index
      %get3A_73 = tpu.vector_load %arg14[%get3A_71, %get3A_72] {strides = array<i32>} : memref<40x256xf32, #tpu.memory_space<vmem>>, vector<16xf32>,
      %add3A_74 = arith.addf %get3A_70, %get3A_73 : vector<16xf32>
      %add3A_75 = arith.addf %add3A_74, %get3A_1 : vector<16xf32>
      %swap3A = arith.index_cast %scan3A_67 : i32 to index
      %swap3A_76 = arith.constant 0 : index
      %swap3A_77 = tpu.vector_load %arg12[%swap3A, %swap3A_76] {strides = array<i32>} : memref<40x256xf32, #tpu.memory_space<vmem>>, vector<16xf32>,
      tpu.vector_store %arg12[%swap3A, %swap3A_76], %add3A_75 {strides = array<i32>} : memref<40x256xf32, #tpu.memory_space<vmem>>, vector<16xf32>,
      %get3A_78 = arith.index_cast %scan3A_67 : i32 to index
      %get3A_79 = arith.constant 16 : index
      %get3A_80 = tpu.vector_load %arg12[%get3A_78, %get3A_79] {strides = array<i32>} : memref<40x256xf32, #tpu.memory_space<vmem>>, vector<16xf32>,
      %get3A_81 = arith.index_cast %scan3A_67 : i32 to index
      %get3A_82 = arith.constant 16 : index
      %get3A_83 = tpu.vector_load %arg14[%get3A_81, %get3A_82] {strides = array<i32>} : memref<40x256xf32, #tpu.memory_space<vmem>>, vector<16xf32>,
      %add3A_84 = arith.addf %get3A_80, %get3A_83 : vector<16xf32>
      %add3A_85 = arith.addf %add3A_84, %get3A_3 : vector<16xf32>
      %swap3A_86 = arith.index_cast %scan3A_67 : i32 to index
      %swap3A_87 = arith.constant 16 : index
      %swap3A_88 = tpu.vector_load %arg12[%swap3A_86, %swap3A_87] {strides = array<i32>} : memref<40x256xf32, #tpu.memory_space<vmem>>, vector<16xf32>,
      tpu.vector_store %arg12[%swap3A_86, %swap3A_87], %add3A_85 {strides = array<i32>} : memref<40x256xf32, #tpu.memory_space<vmem>>, vector<16xf32>,
      %get3A_89 = arith.index_cast %scan3A_67 : i32 to index
      %get3A_90 = arith.constant 32 : index
      %get3A_91 = tpu.vector_load %arg12[%get3A_89, %get3A_90] {strides = array<i32>} : memref<40x256xf32, #tpu.memory_space<vmem>>, vector<16xf32>,
      %get3A_92 = arith.index_cast %scan3A_67 : i32 to index
      %get3A_93 = arith.constant 32 : index
      %get3A_94 = tpu.vector_load %arg14[%get3A_92, %get3A_93] {strides = array<i32>} : memref<40x256xf32, #tpu.memory_space<vmem>>, vector<16xf32>,
      %add3A_95 = arith.addf %get3A_91, %get3A_94 : vector<16xf32>
      %add3A_96 = arith.addf %add3A_95, %get3A_5 : vector<16xf32>
      %swap3A_97 = arith.index_cast %scan3A_67 : i32 to index
      %swap3A_98 = arith.constant 32 : index
      %swap3A_99 = tpu.vector_load %arg12[%swap3A_97, %swap3A_98] {strides = array<i32>} : memref<40x256xf32, #tpu.memory_space<vmem>>, vector<16xf32>,
      tpu.vector_store %arg12[%swap3A_97, %swap3A_98], %add3A_96 {strides = array<i32>} : memref<40x256xf32, #tpu.memory_space<vmem>>, vector<16xf32>,
      %get3A_100 = arith.index_cast %scan3A_67 : i32 to index
      %get3A_101 = arith.constant 48 : index
      %get3A_102 = tpu.vector_load %arg12[%get3A_100, %get3A_101] {strides = array<i32>} : memref<40x256xf32, #tpu.memory_space<vmem>>, vector<16xf32>,
      %get3A_103 = arith.index_cast %scan3A_67 : i32 to index
      %get3A_104 = arith.constant 48 : index
      %get3A_105 = tpu.vector_load %arg14[%get3A_103, %get3A_104] {strides = array<i32>} : memref<40x256xf32, #tpu.memory_space<vmem>>, vector<16xf32>,
      %add3A_106 = arith.addf %get3A_102, %get3A_105 : vector<16xf32>
      %add3A_107 = arith.addf %add3A_106, %get3A_7 : vector<16xf32>
      %swap3A_108 = arith.index_cast %scan3A_67 : i32 to index
      %swap3A_109 = arith.constant 48 : index
      %swap3A_110 = tpu.vector_load %arg12[%swap3A_108, %swap3A_109] {strides = array<i32>} : memref<40x256xf32, #tpu.memory_space<vmem>>, vector<16xf32>,
      tpu.vector_store %arg12[%swap3A_108, %swap3A_109], %add3A_107 {strides = array<i32>} : memref<40x256xf32, #tpu.memory_space<vmem>>, vector<16xf32>,
      %get3A_111 = arith.index_cast %scan3A_67 : i32 to index
      %get3A_112 = arith.constant 64 : index
      %get3A_113 = tpu.vector_load %arg12[%get3A_111, %get3A_112] {strides = array<i32>} : memref<40x256xf32, #tpu.memory_space<vmem>>, vector<16xf32>,
      %get3A_114 = arith.index_cast %scan3A_67 : i32 to index
      %get3A_115 = arith.constant 64 : index
      %get3A_116 = tpu.vector_load %arg14[%get3A_114, %get3A_115] {strides = array<i32>} : memref<40x256xf32, #tpu.memory_space<vmem>>, vector<16xf32>,
      %add3A_117 = arith.addf %get3A_113, %get3A_116 : vector<16xf32>
      %add3A_118 = arith.addf %add3A_117, %get3A_9 : vector<16xf32>
      %swap3A_119 = arith.index_cast %scan3A_67 : i32 to index
      %swap3A_120 = arith.constant 64 : index
      %swap3A_121 = tpu.vector_load %arg12[%swap3A_119, %swap3A_120] {strides = array<i32>} : memref<40x256xf32, #tpu.memory_space<vmem>>, vector<16xf32>,
      tpu.vector_store %arg12[%swap3A_119, %swap3A_120], %add3A_118 {strides = array<i32>} : memref<40x256xf32, #tpu.memory_space<vmem>>, vector<16xf32>,
      %get3A_122 = arith.index_cast %scan3A_67 : i32 to index
      %get3A_123 = arith.constant 80 : index
      %get3A_124 = tpu.vector_load %arg12[%get3A_122, %get3A_123] {strides = array<i32>} : memref<40x256xf32, #tpu.memory_space<vmem>>, vector<16xf32>,
      %get3A_125 = arith.index_cast %scan3A_67 : i32 to index
      %get3A_126 = arith.constant 80 : index
      %get3A_127 = tpu.vector_load %arg14[%get3A_125, %get3A_126] {strides = array<i32>} : memref<40x256xf32, #tpu.memory_space<vmem>>, vector<16xf32>,
      %add3A_128 = arith.addf %get3A_124, %get3A_127 : vector<16xf32>
      %add3A_129 = arith.addf %add3A_128, %get3A_11 : vector<16xf32>
      %swap3A_130 = arith.index_cast %scan3A_67 : i32 to index
      %swap3A_131 = arith.constant 80 : index
      %swap3A_132 = tpu.vector_load %arg12[%swap3A_130, %swap3A_131] {strides = array<i32>} : memref<40x256xf32, #tpu.memory_space<vmem>>, vector<16xf32>,
      tpu.vector_store %arg12[%swap3A_130, %swap3A_131], %add3A_129 {strides = array<i32>} : memref<40x256xf32, #tpu.memory_space<vmem>>, vector<16xf32>,
      %get3A_133 = arith.index_cast %scan3A_67 : i32 to index
      %get3A_134 = arith.constant 96 : index
      %get3A_135 = tpu.vector_load %arg12[%get3A_133, %get3A_134] {strides = array<i32>} : memref<40x256xf32, #tpu.memory_space<vmem>>, vector<16xf32>,
      %get3A_136 = arith.index_cast %scan3A_67 : i32 to index
      %get3A_137 = arith.constant 96 : index
      %get3A_138 = tpu.vector_load %arg14[%get3A_136, %get3A_137] {strides = array<i32>} : memref<40x256xf32, #tpu.memory_space<vmem>>, vector<16xf32>,
      %add3A_139 = arith.addf %get3A_135, %get3A_138 : vector<16xf32>
      %add3A_140 = arith.addf %add3A_139, %get3A_13 : vector<16xf32>
      %swap3A_141 = arith.index_cast %scan3A_67 : i32 to index
      %swap3A_142 = arith.constant 96 : index
      %swap3A_143 = tpu.vector_load %arg12[%swap3A_141, %swap3A_142] {strides = array<i32>} : memref<40x256xf32, #tpu.memory_space<vmem>>, vector<16xf32>,
      tpu.vector_store %arg12[%swap3A_141, %swap3A_142], %add3A_140 {strides = array<i32>} : memref<40x256xf32, #tpu.memory_space<vmem>>, vector<16xf32>,
      %get3A_144 = arith.index_cast %scan3A_67 : i32 to index
      %get3A_145 = arith.constant 112 : index
      %get3A_146 = tpu.vector_load %arg12[%get3A_144, %get3A_145] {strides = array<i32>} : memref<40x256xf32, #tpu.memory_space<vmem>>, vector<16xf32>,
      %get3A_147 = arith.index_cast %scan3A_67 : i32 to index
      %get3A_148 = arith.constant 112 : index
      %get3A_149 = tpu.vector_load %arg14[%get3A_147, %get3A_148] {strides = array<i32>} : memref<40x256xf32, #tpu.memory_space<vmem>>, vector<16xf32>,
      %add3A_150 = arith.addf %get3A_146, %get3A_149 : vector<16xf32>
      %add3A_151 = arith.addf %add3A_150, %get3A_15 : vector<16xf32>
      %swap3A_152 = arith.index_cast %scan3A_67 : i32 to index
      %swap3A_153 = arith.constant 112 : index
      %swap3A_154 = tpu.vector_load %arg12[%swap3A_152, %swap3A_153] {strides = array<i32>} : memref<40x256xf32, #tpu.memory_space<vmem>>, vector<16xf32>,
      tpu.vector_store %arg12[%swap3A_152, %swap3A_153], %add3A_151 {strides = array<i32>} : memref<40x256xf32, #tpu.memory_space<vmem>>, vector<16xf32>,
      %get3A_155 = arith.index_cast %scan3A_67 : i32 to index
      %get3A_156 = arith.constant 128 : index
      %get3A_157 = tpu.vector_load %arg12[%get3A_155, %get3A_156] {strides = array<i32>} : memref<40x256xf32, #tpu.memory_space<vmem>>, vector<16xf32>,
      %get3A_158 = arith.index_cast %scan3A_67 : i32 to index
      %get3A_159 = arith.constant 128 : index
      %get3A_160 = tpu.vector_load %arg14[%get3A_158, %get3A_159] {strides = array<i32>} : memref<40x256xf32, #tpu.memory_space<vmem>>, vector<16xf32>,
      %add3A_161 = arith.addf %get3A_157, %get3A_160 : vector<16xf32>
      %add3A_162 = arith.addf %add3A_161, %get3A_17 : vector<16xf32>
      %swap3A_163 = arith.index_cast %scan3A_67 : i32 to index
      %swap3A_164 = arith.constant 128 : index
      %swap3A_165 = tpu.vector_load %arg12[%swap3A_163, %swap3A_164] {strides = array<i32>} : memref<40x256xf32, #tpu.memory_space<vmem>>, vector<16xf32>,
      tpu.vector_store %arg12[%swap3A_163, %swap3A_164], %add3A_162 {strides = array<i32>} : memref<40x256xf32, #tpu.memory_space<vmem>>, vector<16xf32>,
      %get3A_166 = arith.index_cast %scan3A_67 : i32 to index
      %get3A_167 = arith.constant 144 : index
      %get3A_168 = tpu.vector_load %arg12[%get3A_166, %get3A_167] {strides = array<i32>} : memref<40x256xf32, #tpu.memory_space<vmem>>, vector<16xf32>,
      %get3A_169 = arith.index_cast %scan3A_67 : i32 to index
      %get3A_170 = arith.constant 144 : index
      %get3A_171 = tpu.vector_load %arg14[%get3A_169, %get3A_170] {strides = array<i32>} : memref<40x256xf32, #tpu.memory_space<vmem>>, vector<16xf32>,
      %add3A_172 = arith.addf %get3A_168, %get3A_171 : vector<16xf32>
      %add3A_173 = arith.addf %add3A_172, %get3A_19 : vector<16xf32>
      %swap3A_174 = arith.index_cast %scan3A_67 : i32 to index
      %swap3A_175 = arith.constant 144 : index
      %swap3A_176 = tpu.vector_load %arg12[%swap3A_174, %swap3A_175] {strides = array<i32>} : memref<40x256xf32, #tpu.memory_space<vmem>>, vector<16xf32>,
      tpu.vector_store %arg12[%swap3A_174, %swap3A_175], %add3A_173 {strides = array<i32>} : memref<40x256xf32, #tpu.memory_space<vmem>>, vector<16xf32>,
      %get3A_177 = arith.index_cast %scan3A_67 : i32 to index
      %get3A_178 = arith.constant 160 : index
      %get3A_179 = tpu.vector_load %arg12[%get3A_177, %get3A_178] {strides = array<i32>} : memref<40x256xf32, #tpu.memory_space<vmem>>, vector<16xf32>,
      %get3A_180 = arith.index_cast %scan3A_67 : i32 to index
      %get3A_181 = arith.constant 160 : index
      %get3A_182 = tpu.vector_load %arg14[%get3A_180, %get3A_181] {strides = array<i32>} : memref<40x256xf32, #tpu.memory_space<vmem>>, vector<16xf32>,
      %add3A_183 = arith.addf %get3A_179, %get3A_182 : vector<16xf32>
      %add3A_184 = arith.addf %add3A_183, %get3A_21 : vector<16xf32>
      %swap3A_185 = arith.index_cast %scan3A_67 : i32 to index
      %swap3A_186 = arith.constant 160 : index
      %swap3A_187 = tpu.vector_load %arg12[%swap3A_185, %swap3A_186] {strides = array<i32>} : memref<40x256xf32, #tpu.memory_space<vmem>>, vector<16xf32>,
      tpu.vector_store %arg12[%swap3A_185, %swap3A_186], %add3A_184 {strides = array<i32>} : memref<40x256xf32, #tpu.memory_space<vmem>>, vector<16xf32>,
      %get3A_188 = arith.index_cast %scan3A_67 : i32 to index
      %get3A_189 = arith.constant 176 : index
      %get3A_190 = tpu.vector_load %arg12[%get3A_188, %get3A_189] {strides = array<i32>} : memref<40x256xf32, #tpu.memory_space<vmem>>, vector<16xf32>,
      %get3A_191 = arith.index_cast %scan3A_67 : i32 to index
      %get3A_192 = arith.constant 176 : index
      %get3A_193 = tpu.vector_load %arg14[%get3A_191, %get3A_192] {strides = array<i32>} : memref<40x256xf32, #tpu.memory_space<vmem>>, vector<16xf32>,
      %add3A_194 = arith.addf %get3A_190, %get3A_193 : vector<16xf32>
      %add3A_195 = arith.addf %add3A_194, %get3A_23 : vector<16xf32>
      %swap3A_196 = arith.index_cast %scan3A_67 : i32 to index
      %swap3A_197 = arith.constant 176 : index
      %swap3A_198 = tpu.vector_load %arg12[%swap3A_196, %swap3A_197] {strides = array<i32>} : memref<40x256xf32, #tpu.memory_space<vmem>>, vector<16xf32>,
      tpu.vector_store %arg12[%swap3A_196, %swap3A_197], %add3A_195 {strides = array<i32>} : memref<40x256xf32, #tpu.memory_space<vmem>>, vector<16xf32>,
      %get3A_199 = arith.index_cast %scan3A_67 : i32 to index
      %get3A_200 = arith.constant 192 : index
      %get3A_201 = tpu.vector_load %arg12[%get3A_199, %get3A_200] {strides = array<i32>} : memref<40x256xf32, #tpu.memory_space<vmem>>, vector<16xf32>,
      %get3A_202 = arith.index_cast %scan3A_67 : i32 to index
      %get3A_203 = arith.constant 192 : index
      %get3A_204 = tpu.vector_load %arg14[%get3A_202, %get3A_203] {strides = array<i32>} : memref<40x256xf32, #tpu.memory_space<vmem>>, vector<16xf32>,
      %add3A_205 = arith.addf %get3A_201, %get3A_204 : vector<16xf32>
      %add3A_206 = arith.addf %add3A_205, %get3A_25 : vector<16xf32>
      %swap3A_207 = arith.index_cast %scan3A_67 : i32 to index
      %swap3A_208 = arith.constant 192 : index
      %swap3A_209 = tpu.vector_load %arg12[%swap3A_207, %swap3A_208] {strides = array<i32>} : memref<40x256xf32, #tpu.memory_space<vmem>>, vector<16xf32>,
      tpu.vector_store %arg12[%swap3A_207, %swap3A_208], %add3A_206 {strides = array<i32>} : memref<40x256xf32, #tpu.memory_space<vmem>>, vector<16xf32>,
      %get3A_210 = arith.index_cast %scan3A_67 : i32 to index
      %get3A_211 = arith.constant 208 : index
      %get3A_212 = tpu.vector_load %arg12[%get3A_210, %get3A_211] {strides = array<i32>} : memref<40x256xf32, #tpu.memory_space<vmem>>, vector<16xf32>,
      %get3A_213 = arith.index_cast %scan3A_67 : i32 to index
      %get3A_214 = arith.constant 208 : index
      %get3A_215 = tpu.vector_load %arg14[%get3A_213, %get3A_214] {strides = array<i32>} : memref<40x256xf32, #tpu.memory_space<vmem>>, vector<16xf32>,
      %add3A_216 = arith.addf %get3A_212, %get3A_215 : vector<16xf32>
      %add3A_217 = arith.addf %add3A_216, %get3A_27 : vector<16xf32>
      %swap3A_218 = arith.index_cast %scan3A_67 : i32 to index
      %swap3A_219 = arith.constant 208 : index
      %swap3A_220 = tpu.vector_load %arg12[%swap3A_218, %swap3A_219] {strides = array<i32>} : memref<40x256xf32, #tpu.memory_space<vmem>>, vector<16xf32>,
      tpu.vector_store %arg12[%swap3A_218, %swap3A_219], %add3A_217 {strides = array<i32>} : memref<40x256xf32, #tpu.memory_space<vmem>>, vector<16xf32>,
      %get3A_221 = arith.index_cast %scan3A_67 : i32 to index
      %get3A_222 = arith.constant 224 : index
      %get3A_223 = tpu.vector_load %arg12[%get3A_221, %get3A_222] {strides = array<i32>} : memref<40x256xf32, #tpu.memory_space<vmem>>, vector<16xf32>,
      %get3A_224 = arith.index_cast %scan3A_67 : i32 to index
      %get3A_225 = arith.constant 224 : index
      %get3A_226 = tpu.vector_load %arg14[%get3A_224, %get3A_225] {strides = array<i32>} : memref<40x256xf32, #tpu.memory_space<vmem>>, vector<16xf32>,
      %add3A_227 = arith.addf %get3A_223, %get3A_226 : vector<16xf32>
      %add3A_228 = arith.addf %add3A_227, %get3A_29 : vector<16xf32>
      %swap3A_229 = arith.index_cast %scan3A_67 : i32 to index
      %swap3A_230 = arith.constant 224 : index
      %swap3A_231 = tpu.vector_load %arg12[%swap3A_229, %swap3A_230] {strides = array<i32>} : memref<40x256xf32, #tpu.memory_space<vmem>>, vector<16xf32>,
      tpu.vector_store %arg12[%swap3A_229, %swap3A_230], %add3A_228 {strides = array<i32>} : memref<40x256xf32, #tpu.memory_space<vmem>>, vector<16xf32>,
      %get3A_232 = arith.index_cast %scan3A_67 : i32 to index
      %get3A_233 = arith.constant 240 : index
      %get3A_234 = tpu.vector_load %arg12[%get3A_232, %get3A_233] {strides = array<i32>} : memref<40x256xf32, #tpu.memory_space<vmem>>, vector<16xf32>,
      %get3A_235 = arith.index_cast %scan3A_67 : i32 to index
      %get3A_236 = arith.constant 240 : index
      %get3A_237 = tpu.vector_load %arg14[%get3A_235, %get3A_236] {strides = array<i32>} : memref<40x256xf32, #tpu.memory_space<vmem>>, vector<16xf32>,
      %add3A_238 = arith.addf %get3A_234, %get3A_237 : vector<16xf32>
      %add3A_239 = arith.addf %add3A_238, %get3A_31 : vector<16xf32>
      %swap3A_240 = arith.index_cast %scan3A_67 : i32 to index
      %swap3A_241 = arith.constant 240 : index
      %swap3A_242 = tpu.vector_load %arg12[%swap3A_240, %swap3A_241] {strides = array<i32>} : memref<40x256xf32, #tpu.memory_space<vmem>>, vector<16xf32>,
      tpu.vector_store %arg12[%swap3A_240, %swap3A_241], %add3A_239 {strides = array<i32>} : memref<40x256xf32, #tpu.memory_space<vmem>>, vector<16xf32>,
    }
    %scan3A_62 = arith.constant 40 : i32
    %mul3A_63 = arith.constant 5000 : i32
    %mul3A_64 = arith.muli %add3A, %mul3A_63 : i32
    %add3A_65 = arith.constant 4960 : i32
    %add3A_66 = arith.addi %mul3A_64, %add3A_65 : i32
    "tpu.region"() ({
      %run_scoped3A = tpu.sem_alloc : memref<!tpu.dma_semaphore, #tpu.memory_space<semaphore_mem>>
      %dma_start3A_67 = arith.constant 0 : i32
      %dma_start3A_68 = tpu.memref_slice %arg7[%add3A_66, %dma_start3A_67] : memref<160000x256xf32, #tpu.memory_space<hbm>> -> memref<40x256xf32, #tpu.memory_space<hbm>>
      %dma_start3A_69 = arith.constant 0 : i32
      %dma_start3A_70 = tpu.memref_slice %arg7[%add3A_66, %dma_start3A_69] : memref<160000x256xf32, #tpu.memory_space<hbm>> -> memref<40x256xf32, #tpu.memory_space<hbm>>
      tpu.enqueue_dma source(%arg12 : memref<40x256xf32, #tpu.memory_space<vmem>>) target(%dma_start3A_70 : memref<40x256xf32, #tpu.memory_space<hbm>>) target_semaphore(%run_scoped3A : memref<!tpu.dma_semaphore, #tpu.memory_space<semaphore_mem>>)
      %dma_wait3A_71 = arith.constant 0 : i32
      %dma_wait3A_72 = tpu.memref_slice %arg7[%add3A_66, %dma_wait3A_71] : memref<160000x256xf32, #tpu.memory_space<hbm>> -> memref<40x256xf32, #tpu.memory_space<hbm>>
      %dma_wait3A_73 = arith.constant 0 : i32
      %dma_wait3A_74 = tpu.memref_slice %arg7[%add3A_66, %dma_wait3A_73] : memref<160000x256xf32, #tpu.memory_space<hbm>> -> memref<40x256xf32, #tpu.memory_space<hbm>>
      tpu.wait_dma2 semaphore(%run_scoped3A : memref<!tpu.dma_semaphore, #tpu.memory_space<semaphore_mem>>) src(%arg12 : memref<40x256xf32, #tpu.memory_space<vmem>>) dst(%dma_wait3A_74 : memref<40x256xf32, #tpu.memory_space<hbm>>)
      tpu.yield
    }) : () -> ()
    return
  }
}

module attributes {stable_mosaic.version = 14 : i64} {
  func.func @_mm_body(%arg0: i32, %arg1: memref<1000x256xf32, #tpu.memory_space<vmem>>, %arg2: memref<256x256xf32, #tpu.memory_space<vmem>>, %arg3: memref<256x256xf32, #tpu.memory_space<vmem>>, %arg4: memref<1000x256xf32, #tpu.memory_space<vmem>>, %arg5: memref<1000x256xf32, #tpu.memory_space<vmem>>) attributes {dimension_semantics = [#tpu.dimension_semantics<arbitrary>], iteration_bounds = array<i64: 10>, scalar_prefetch = 0 : i64, scratch_operands = 0 : i64, tpu.core_type = #tpu.core_type<tc>, window_params = [{transform_indices = @transform_0, window_bounds = array<i64: 1000, 256>}, {pipeline_mode = #tpu.pipeline_mode<synchronous>, transform_indices = @transform_1, window_bounds = array<i64: 256, 256>}, {pipeline_mode = #tpu.pipeline_mode<synchronous>, transform_indices = @transform_2, window_bounds = array<i64: 256, 256>}, {transform_indices = @transform_3, window_bounds = array<i64: 1000, 256>}, {transform_indices = @transform_4, window_bounds = array<i64: 1000, 256>}]} {
    %get3A = arith.constant 0 : index
    %get3A_0 = arith.constant 0 : index
    %get3A_1 = vector.load %arg1[%get3A, %get3A_0] : memref<1000x256xf32, #tpu.memory_space<vmem>>, vector<1000x256xf32>
    %get3A_2 = arith.constant 0 : index
    %get3A_3 = arith.constant 0 : index
    %get3A_4 = vector.load %arg2[%get3A_2, %get3A_3] : memref<256x256xf32, #tpu.memory_space<vmem>>, vector<256x256xf32>
    %dot_general3A = arith.constant dense<0.000000e+00> : vector<1000x256xf32>
    %dot_general3A_5 = tpu.matmul %get3A_1, %get3A_4, %dot_general3A {dimension_numbers = #tpu.dot_dimension_numbers<[1], [0], [0], [1], [0, 0, 1, 1], [], []>, transpose_lhs_hint = false} : vector<1000x256xf32>, vector<256x256xf32>, vector<1000x256xf32> -> vector<1000x256xf32>
    %swap3A = arith.constant 0 : index
    %swap3A_6 = arith.constant 0 : index
    %swap3A_7 = vector.load %arg4[%swap3A, %swap3A_6] : memref<1000x256xf32, #tpu.memory_space<vmem>>, vector<1000x256xf32>
    tpu.vector_store %arg4[%swap3A, %swap3A_6], %dot_general3A_5 {strides = array<i32>} : memref<1000x256xf32, #tpu.memory_space<vmem>>, vector<1000x256xf32>,
    %get3A_8 = arith.constant 0 : index
    %get3A_9 = arith.constant 0 : index
    %get3A_10 = vector.load %arg3[%get3A_8, %get3A_9] : memref<256x256xf32, #tpu.memory_space<vmem>>, vector<256x256xf32>
    %dot_general3A_11 = arith.constant dense<0.000000e+00> : vector<1000x256xf32>
    %dot_general3A_12 = tpu.matmul %get3A_1, %get3A_10, %dot_general3A_11 {dimension_numbers = #tpu.dot_dimension_numbers<[1], [0], [0], [1], [0, 0, 1, 1], [], []>, transpose_lhs_hint = false} : vector<1000x256xf32>, vector<256x256xf32>, vector<1000x256xf32> -> vector<1000x256xf32>
    %swap3A_13 = arith.constant 0 : index
    %swap3A_14 = arith.constant 0 : index
    %swap3A_15 = vector.load %arg5[%swap3A_13, %swap3A_14] : memref<1000x256xf32, #tpu.memory_space<vmem>>, vector<1000x256xf32>
    tpu.vector_store %arg5[%swap3A_13, %swap3A_14], %dot_general3A_12 {strides = array<i32>} : memref<1000x256xf32, #tpu.memory_space<vmem>>, vector<1000x256xf32>,
    return
  }
  func.func @transform_0(%arg0: i32) -> (i32, i32) {
    %c0_i32 = arith.constant 0 : i32
    %c0_i32_0 = arith.constant 0 : i32
    return %arg0, %c0_i32 : i32, i32
  }
  func.func @transform_1(%arg0: i32) -> (i32, i32) {
    %c0_i32 = arith.constant 0 : i32
    %c0_i32_0 = arith.constant 0 : i32
    %c0_i32_1 = arith.constant 0 : i32
    return %c0_i32, %c0_i32_0 : i32, i32
  }
  func.func @transform_2(%arg0: i32) -> (i32, i32) {
    %c0_i32 = arith.constant 0 : i32
    %c0_i32_0 = arith.constant 0 : i32
    %c0_i32_1 = arith.constant 0 : i32
    return %c0_i32, %c0_i32_0 : i32, i32
  }
  func.func @transform_3(%arg0: i32) -> (i32, i32) {
    %c0_i32 = arith.constant 0 : i32
    %c0_i32_0 = arith.constant 0 : i32
    return %arg0, %c0_i32 : i32, i32
  }
  func.func @transform_4(%arg0: i32) -> (i32, i32) {
    %c0_i32 = arith.constant 0 : i32
    %c0_i32_0 = arith.constant 0 : i32
    return %arg0, %c0_i32 : i32, i32
  }
}

module attributes {stable_mosaic.version = 14 : i64} {
  func.func @_mv_body(%arg0: i32, %arg1: memref<8000x256xf32, #tpu.memory_space<vmem>>, %arg2: memref<256x8xf32, #tpu.memory_space<vmem>>, %arg3: memref<1x8xf32, #tpu.memory_space<vmem>>, %arg4: memref<8000x1xf32, #tpu.memory_space<vmem>>) attributes {dimension_semantics = [#tpu.dimension_semantics<arbitrary>], iteration_bounds = array<i64: 20>, scalar_prefetch = 0 : i64, scratch_operands = 0 : i64, tpu.core_type = #tpu.core_type<tc>, window_params = [{transform_indices = @transform_0, window_bounds = array<i64: 8000, 256>}, {pipeline_mode = #tpu.pipeline_mode<synchronous>, transform_indices = @transform_1, window_bounds = array<i64: 256, 8>}, {pipeline_mode = #tpu.pipeline_mode<synchronous>, transform_indices = @transform_2, window_bounds = array<i64: 1, 8>}, {transform_indices = @transform_3, window_bounds = array<i64: 8000, 1>}]} {
    %get3A = arith.constant 0 : index
    %get3A_0 = arith.constant 0 : index
    %get3A_1 = vector.load %arg1[%get3A, %get3A_0] : memref<8000x256xf32, #tpu.memory_space<vmem>>, vector<8000x256xf32>
    %max3A = arith.constant 0.000000e+00 : f32
    %max3A_2 = vector.broadcast %max3A : f32 to vector<8000x256xf32>
    %max3A_3 = arith.maximumf %get3A_1, %max3A_2 : vector<8000x256xf32>
    %get3A_4 = arith.constant 0 : index
    %get3A_5 = arith.constant 0 : index
    %get3A_6 = vector.load %arg2[%get3A_4, %get3A_5] : memref<256x8xf32, #tpu.memory_space<vmem>>, vector<256x8xf32>
    %dot_general3A = arith.constant dense<0.000000e+00> : vector<8000x8xf32>
    %dot_general3A_7 = tpu.matmul %max3A_3, %get3A_6, %dot_general3A {dimension_numbers = #tpu.dot_dimension_numbers<[1], [0], [0], [1], [0, 0, 1, 1], [], []>, transpose_lhs_hint = false} : vector<8000x256xf32>, vector<256x8xf32>, vector<8000x8xf32> -> vector<8000x8xf32>
    %get3A_8 = arith.constant 0 : index
    %get3A_9 = arith.constant 0 : index
    %get3A_10 = vector.load %arg3[%get3A_8, %get3A_9] : memref<1x8xf32, #tpu.memory_space<vmem>>, vector<1x8xf32>
    %add3A = vector.broadcast %get3A_10 : vector<1x8xf32> to vector<8000x8xf32>
    %add3A_11 = arith.addf %dot_general3A_7, %add3A : vector<8000x8xf32>
    %neg3A = arith.constant 0.000000e+00 : f32
    %neg3A_12 = vector.broadcast %neg3A : f32 to vector<8000x8xf32>
    %neg3A_13 = arith.subf %neg3A_12, %add3A_11 : vector<8000x8xf32>
    %exp3A = math.exp %neg3A_13 : vector<8000x8xf32>
    %add3A_14 = arith.constant 1.000000e+00 : f32
    %add3A_15 = vector.broadcast %add3A_14 : f32 to vector<8000x8xf32>
    %add3A_16 = arith.addf %add3A_15, %exp3A : vector<8000x8xf32>
    %div3A = arith.constant 1.000000e+00 : f32
    %div3A_17 = vector.broadcast %div3A : f32 to vector<8000x8xf32>
    %div3A_18 = arith.divf %div3A_17, %add3A_16 : vector<8000x8xf32>
    %slice3A = vector.extract_strided_slice %div3A_18 {offsets = [0, 0], sizes = [8000, 1], strides = [1, 1]} : vector<8000x8xf32> to vector<8000x1xf32>
    %swap3A = arith.constant 0 : index
    %swap3A_19 = arith.constant 0 : index
    %swap3A_20 = vector.load %arg4[%swap3A, %swap3A_19] : memref<8000x1xf32, #tpu.memory_space<vmem>>, vector<8000x1xf32>
    tpu.vector_store %arg4[%swap3A, %swap3A_19], %slice3A {strides = array<i32>} : memref<8000x1xf32, #tpu.memory_space<vmem>>, vector<8000x1xf32>,
    return
  }
  func.func @transform_0(%arg0: i32) -> (i32, i32) {
    %c0_i32 = arith.constant 0 : i32
    %c0_i32_0 = arith.constant 0 : i32
    return %arg0, %c0_i32 : i32, i32
  }
  func.func @transform_1(%arg0: i32) -> (i32, i32) {
    %c0_i32 = arith.constant 0 : i32
    %c0_i32_0 = arith.constant 0 : i32
    %c0_i32_1 = arith.constant 0 : i32
    return %c0_i32, %c0_i32_0 : i32, i32
  }
  func.func @transform_2(%arg0: i32) -> (i32, i32) {
    %c0_i32 = arith.constant 0 : i32
    %c0_i32_0 = arith.constant 0 : i32
    %c0_i32_1 = arith.constant 0 : i32
    return %c0_i32, %c0_i32_0 : i32, i32
  }
  func.func @transform_3(%arg0: i32) -> (i32, i32) {
    %c0_i32 = arith.constant 0 : i32
    %c0_i32_0 = arith.constant 0 : i32
    return %arg0, %c0_i32 : i32, i32
  }
}

module attributes {stable_mosaic.version = 14 : i64} {
  func.func @_topk_body(%arg0: memref<1250x128xf32, #tpu.memory_space<vmem>>, %arg1: memref<2500x128xi32, #tpu.memory_space<vmem>>, %arg2: memref<56x128xf32, #tpu.memory_space<vmem>>, %arg3: memref<112x128xi32, #tpu.memory_space<vmem>>, %arg4: memref<1250x128xf32, #tpu.memory_space<vmem>>, %arg5: memref<1250x128xi32, #tpu.memory_space<vmem>>) attributes {dimension_semantics = [], scalar_prefetch = 0 : i64, scratch_operands = 2 : i64, tpu.core_type = #tpu.core_type<tc>} {
    %get3A = arith.constant 0 : index
    %get3A_0 = arith.constant 0 : index
    %get3A_1 = vector.load %arg1[%get3A, %get3A_0] : memref<2500x128xi32, #tpu.memory_space<vmem>>, vector<1250x128xi32>
    %get3A_2 = arith.constant 1250 : index
    %get3A_3 = arith.constant 0 : index
    %get3A_4 = vector.load %arg1[%get3A_2, %get3A_3] : memref<2500x128xi32, #tpu.memory_space<vmem>>, vector<1250x128xi32>
    %lt3A = arith.cmpi slt, %get3A_1, %get3A_4 : vector<1250x128xi32>
    %get3A_5 = arith.constant 0 : index
    %get3A_6 = arith.constant 0 : index
    %get3A_7 = vector.load %arg0[%get3A_5, %get3A_6] : memref<1250x128xf32, #tpu.memory_space<vmem>>, vector<1250x128xf32>
    %jit3A = arith.constant 0xFF800000 : f32
    %broadcast_in_dim3A = vector.broadcast %jit3A : f32 to vector<1250x128xf32>
    %select_n3A = arith.select %lt3A, %get3A_7, %broadcast_in_dim3A : vector<1250x128xi1>, vector<1250x128xf32>
    %swap3A = arith.constant 0 : index
    %swap3A_8 = arith.constant 0 : index
    %swap3A_9 = vector.load %arg4[%swap3A, %swap3A_8] : memref<1250x128xf32, #tpu.memory_space<vmem>>, vector<1250x128xf32>
    tpu.vector_store %arg4[%swap3A, %swap3A_8], %select_n3A {strides = array<i32>} : memref<1250x128xf32, #tpu.memory_space<vmem>>, vector<1250x128xf32>,
    %iota3A = tpu.iota {dimensions = array<i32: 0>} : vector<1250x128xi32>
    %mul3A = arith.constant 128 : i32
    %mul3A_10 = vector.broadcast %mul3A : i32 to vector<1250x128xi32>
    %mul3A_11 = arith.muli %iota3A, %mul3A_10 : vector<1250x128xi32>
    %iota3A_12 = tpu.iota {dimensions = array<i32: 1>} : vector<1250x128xi32>
    %add3A = arith.addi %mul3A_11, %iota3A_12 : vector<1250x128xi32>
    %swap3A_13 = arith.constant 0 : index
    %swap3A_14 = arith.constant 0 : index
    %swap3A_15 = vector.load %arg5[%swap3A_13, %swap3A_14] : memref<1250x128xi32, #tpu.memory_space<vmem>>, vector<1250x128xi32>
    tpu.vector_store %arg5[%swap3A_13, %swap3A_14], %add3A {strides = array<i32>} : memref<1250x128xi32, #tpu.memory_space<vmem>>, vector<1250x128xi32>,
    %iota3A_16 = tpu.iota {dimensions = array<i32: 1>} : vector<1x128xi32>
    %scan3A = arith.constant 1073741824 : i32
    %scan3A_17 = arith.constant 0 : i32
    %scan3A_18 = arith.constant 50 : i32
    %scan3A_19 = arith.addi %scan3A_17, %scan3A_18 : i32
    %scan3A_20 = arith.constant 1 : i32
    scf.for %scan3A_22 = %scan3A_17 to %scan3A_19 step %scan3A_20  : i32 {
      %get3A_23 = arith.constant 0 : index
      %get3A_24 = arith.constant 0 : index
      %get3A_25 = vector.load %arg4[%get3A_23, %get3A_24] : memref<1250x128xf32, #tpu.memory_space<vmem>>, vector<1250x128xf32>
      %get3A_26 = arith.constant 0 : index
      %get3A_27 = arith.constant 0 : index
      %get3A_28 = vector.load %arg5[%get3A_26, %get3A_27] : memref<1250x128xi32, #tpu.memory_space<vmem>>, vector<1250x128xi32>
      %reduce_max3A = vector.shape_cast %get3A_25 : vector<1250x128xf32> to vector<1x1250x128xf32>
      %reduce_max3A_29 = arith.constant dense<0xFF800000> : vector<1xf32>
      %reduce_max3A_30 = vector.multi_reduction <maximumf>, %reduce_max3A, %reduce_max3A_29 [1, 2] : vector<1x1250x128xf32> to vector<1xf32>
      %reduce_max3A_31 = vector.shape_cast %reduce_max3A_30 : vector<1xf32> to vector<1x1x1xf32>
      %reduce_max3A_32 = vector.extract %reduce_max3A_31[0, 0, 0] : f32 from vector<1x1x1xf32>
      %eq3A = vector.broadcast %reduce_max3A_32 : f32 to vector<1250x128xf32>
      %eq3A_33 = arith.cmpf oeq, %get3A_25, %eq3A : vector<1250x128xf32>
      %broadcast_in_dim3A_34 = vector.broadcast %scan3A : i32 to vector<1250x128xi32>
      %select_n3A_35 = arith.select %eq3A_33, %get3A_28, %broadcast_in_dim3A_34 : vector<1250x128xi1>, vector<1250x128xi32>
      %reduce_min3A = vector.shape_cast %select_n3A_35 : vector<1250x128xi32> to vector<1x1250x128xi32>
      %reduce_min3A_36 = arith.constant dense<2147483647> : vector<1xi32>
      %reduce_min3A_37 = vector.multi_reduction <minsi>, %reduce_min3A, %reduce_min3A_36 [1, 2] : vector<1x1250x128xi32> to vector<1xi32>
      %reduce_min3A_38 = vector.shape_cast %reduce_min3A_37 : vector<1xi32> to vector<1x1x1xi32>
      %reduce_min3A_39 = vector.extract %reduce_min3A_38[0, 0, 0] : i32 from vector<1x1x1xi32>
      %jit3A_40 = arith.constant 128 : i32
      %div3A = arith.divsi %reduce_min3A_39, %jit3A_40 : i32
      %sign3A = arith.constant 0 : i32
      %sign3A_41 = arith.cmpi sgt, %reduce_min3A_39, %sign3A : i32
      %sign3A_42 = arith.extui %sign3A_41 : i1 to i32
      %sign3A_43 = arith.constant 0 : i32
      %sign3A_44 = arith.cmpi slt, %reduce_min3A_39, %sign3A_43 : i32
      %sign3A_45 = arith.extui %sign3A_44 : i1 to i32
      %sign3A_46 = arith.subi %sign3A_42, %sign3A_45 : i32
      %sign3A_47 = arith.constant 0 : i32
      %sign3A_48 = arith.cmpi sgt, %jit3A_40, %sign3A_47 : i32
      %sign3A_49 = arith.extui %sign3A_48 : i1 to i32
      %sign3A_50 = arith.constant 0 : i32
      %sign3A_51 = arith.cmpi slt, %jit3A_40, %sign3A_50 : i32
      %sign3A_52 = arith.extui %sign3A_51 : i1 to i32
      %sign3A_53 = arith.subi %sign3A_49, %sign3A_52 : i32
      %ne3A = arith.cmpi ne, %sign3A_46, %sign3A_53 : i32
      %rem3A = arith.remsi %reduce_min3A_39, %jit3A_40 : i32
      %ne3A_54 = arith.constant 0 : i32
      %ne3A_55 = arith.cmpi ne, %rem3A, %ne3A_54 : i32
      %and3A = arith.andi %ne3A, %ne3A_55 : i1
      %sub3A = arith.constant 1 : i32
      %sub3A_56 = arith.subi %div3A, %sub3A : i32
      %select_n3A_57 = arith.select %and3A, %sub3A_56, %div3A : i32
      %jit3A_58 = arith.constant 128 : i32
      %eq3A_59 = arith.constant 0 : i32
      %eq3A_60 = arith.cmpi eq, %jit3A_58, %eq3A_59 : i32
      %jit3A_61 = arith.constant 1 : i32
      %select_n3A_62 = arith.select %eq3A_60, %jit3A_61, %jit3A_58 : i32
      %rem3A_63 = arith.remsi %reduce_min3A_39, %select_n3A_62 : i32
      %ne3A_64 = arith.constant 0 : i32
      %ne3A_65 = arith.cmpi ne, %rem3A_63, %ne3A_64 : i32
      %lt3A_66 = arith.constant 0 : i32
      %lt3A_67 = arith.cmpi slt, %rem3A_63, %lt3A_66 : i32
      %lt3A_68 = arith.constant 0 : i32
      %lt3A_69 = arith.cmpi slt, %select_n3A_62, %lt3A_68 : i32
      %ne3A_70 = arith.xori %lt3A_67, %lt3A_69 : i1
      %and3A_71 = arith.andi %ne3A_70, %ne3A_65 : i1
      %add3A_72 = arith.addi %rem3A_63, %select_n3A_62 : i32
      %select_n3A_73 = arith.select %and3A_71, %add3A_72, %rem3A_63 : i32
      %eq3A_74 = vector.broadcast %select_n3A_73 : i32 to vector<1x128xi32>
      %eq3A_75 = arith.cmpi eq, %iota3A_16, %eq3A_74 : vector<1x128xi32>
      %get3A_76 = arith.index_cast %select_n3A_57 : i32 to index
      %get3A_77 = arith.constant 0 : index
      %get3A_78 = vector.load %arg4[%get3A_76, %get3A_77] : memref<1250x128xf32, #tpu.memory_space<vmem>>, vector<1x128xf32>
      %jit3A_79 = arith.constant 0xFF800000 : f32
      %broadcast_in_dim3A_80 = vector.broadcast %jit3A_79 : f32 to vector<1x128xf32>
      %select_n3A_81 = arith.select %eq3A_75, %broadcast_in_dim3A_80, %get3A_78 : vector<1x128xi1>, vector<1x128xf32>
      %swap3A_82 = arith.index_cast %select_n3A_57 : i32 to index
      %swap3A_83 = arith.constant 0 : index
      %swap3A_84 = vector.load %arg4[%swap3A_82, %swap3A_83] : memref<1250x128xf32, #tpu.memory_space<vmem>>, vector<1x128xf32>
      tpu.vector_store %arg4[%swap3A_82, %swap3A_83], %select_n3A_81 {strides = array<i32>} : memref<1250x128xf32, #tpu.memory_space<vmem>>, vector<1x128xf32>,
      %get3A_85 = arith.index_cast %select_n3A_57 : i32 to index
      %get3A_86 = arith.constant 0 : index
      %get3A_87 = vector.load %arg5[%get3A_85, %get3A_86] : memref<1250x128xi32, #tpu.memory_space<vmem>>, vector<1x128xi32>
      %broadcast_in_dim3A_88 = vector.broadcast %scan3A : i32 to vector<1x128xi32>
      %select_n3A_89 = arith.select %eq3A_75, %broadcast_in_dim3A_88, %get3A_87 : vector<1x128xi1>, vector<1x128xi32>
      %swap3A_90 = arith.index_cast %select_n3A_57 : i32 to index
      %swap3A_91 = arith.constant 0 : index
      %swap3A_92 = vector.load %arg5[%swap3A_90, %swap3A_91] : memref<1250x128xi32, #tpu.memory_space<vmem>>, vector<1x128xi32>
      tpu.vector_store %arg5[%swap3A_90, %swap3A_91], %select_n3A_89 {strides = array<i32>} : memref<1250x128xi32, #tpu.memory_space<vmem>>, vector<1x128xi32>,
      %get3A_93 = arith.index_cast %select_n3A_57 : i32 to index
      %get3A_94 = arith.constant 0 : index
      %get3A_95 = vector.load %arg1[%get3A_93, %get3A_94] : memref<2500x128xi32, #tpu.memory_space<vmem>>, vector<1x128xi32>
      %add3A_96 = arith.constant 1250 : i32
      %add3A_97 = arith.addi %add3A_96, %select_n3A_57 : i32
      %get3A_98 = arith.index_cast %add3A_97 : i32 to index
      %get3A_99 = arith.constant 0 : index
      %get3A_100 = vector.load %arg1[%get3A_98, %get3A_99] : memref<2500x128xi32, #tpu.memory_space<vmem>>, vector<1x128xi32>
      %eq3A_101 = vector.broadcast %select_n3A_73 : i32 to vector<1x128xi32>
      %eq3A_102 = arith.cmpi eq, %iota3A_16, %eq3A_101 : vector<1x128xi32>
      %jit3A_103 = arith.constant 0 : i32
      %broadcast_in_dim3A_104 = vector.broadcast %jit3A_103 : i32 to vector<1x128xi32>
      %select_n3A_105 = arith.select %eq3A_102, %get3A_95, %broadcast_in_dim3A_104 : vector<1x128xi1>, vector<1x128xi32>
      %reduce_sum3A = vector.shape_cast %select_n3A_105 : vector<1x128xi32> to vector<1x1x128xi32>
      %reduce_sum3A_106 = arith.constant dense<0> : vector<1xi32>
      %reduce_sum3A_107 = vector.multi_reduction <add>, %reduce_sum3A, %reduce_sum3A_106 [1, 2] : vector<1x1x128xi32> to vector<1xi32>
      %reduce_sum3A_108 = vector.shape_cast %reduce_sum3A_107 : vector<1xi32> to vector<1x1x1xi32>
      %reduce_sum3A_109 = vector.extract %reduce_sum3A_108[0, 0, 0] : i32 from vector<1x1x1xi32>
      %eq3A_110 = vector.broadcast %select_n3A_73 : i32 to vector<1x128xi32>
      %eq3A_111 = arith.cmpi eq, %iota3A_16, %eq3A_110 : vector<1x128xi32>
      %jit3A_112 = arith.constant 0 : i32
      %broadcast_in_dim3A_113 = vector.broadcast %jit3A_112 : i32 to vector<1x128xi32>
      %select_n3A_114 = arith.select %eq3A_111, %get3A_100, %broadcast_in_dim3A_113 : vector<1x128xi1>, vector<1x128xi32>
      %reduce_sum3A_115 = vector.shape_cast %select_n3A_114 : vector<1x128xi32> to vector<1x1x128xi32>
      %reduce_sum3A_116 = arith.constant dense<0> : vector<1xi32>
      %reduce_sum3A_117 = vector.multi_reduction <add>, %reduce_sum3A_115, %reduce_sum3A_116 [1, 2] : vector<1x1x128xi32> to vector<1xi32>
      %reduce_sum3A_118 = vector.shape_cast %reduce_sum3A_117 : vector<1xi32> to vector<1x1x1xi32>
      %reduce_sum3A_119 = vector.extract %reduce_sum3A_118[0, 0, 0] : i32 from vector<1x1x1xi32>
      %broadcast_in_dim3A_120 = vector.broadcast %reduce_max3A_32 : f32 to vector<1x128xf32>
      %swap3A_121 = arith.index_cast %scan3A_22 : i32 to index
      %swap3A_122 = arith.constant 0 : index
      %swap3A_123 = vector.load %arg2[%swap3A_121, %swap3A_122] : memref<56x128xf32, #tpu.memory_space<vmem>>, vector<1x128xf32>
      tpu.vector_store %arg2[%swap3A_121, %swap3A_122], %broadcast_in_dim3A_120 {strides = array<i32>} : memref<56x128xf32, #tpu.memory_space<vmem>>, vector<1x128xf32>,
      %broadcast_in_dim3A_124 = vector.broadcast %reduce_sum3A_109 : i32 to vector<1x128xi32>
      %swap3A_125 = arith.index_cast %scan3A_22 : i32 to index
      %swap3A_126 = arith.constant 0 : index
      %swap3A_127 = vector.load %arg3[%swap3A_125, %swap3A_126] : memref<112x128xi32, #tpu.memory_space<vmem>>, vector<1x128xi32>
      tpu.vector_store %arg3[%swap3A_125, %swap3A_126], %broadcast_in_dim3A_124 {strides = array<i32>} : memref<112x128xi32, #tpu.memory_space<vmem>>, vector<1x128xi32>,
      %broadcast_in_dim3A_128 = vector.broadcast %reduce_sum3A_119 : i32 to vector<1x128xi32>
      %add3A_129 = arith.constant 56 : i32
      %add3A_130 = arith.addi %add3A_129, %scan3A_22 : i32
      %swap3A_131 = arith.index_cast %add3A_130 : i32 to index
      %swap3A_132 = arith.constant 0 : index
      %swap3A_133 = vector.load %arg3[%swap3A_131, %swap3A_132] : memref<112x128xi32, #tpu.memory_space<vmem>>, vector<1x128xi32>
      tpu.vector_store %arg3[%swap3A_131, %swap3A_132], %broadcast_in_dim3A_128 {strides = array<i32>} : memref<112x128xi32, #tpu.memory_space<vmem>>, vector<1x128xi32>,
    }
    %scan3A_21 = arith.constant 50 : i32
    return
  }
}

</mosaic_0001>

<sc_bundles>
// kernel: kernel.6.cloned.1.call-start
scs
__scs_entry_jumppad:
0x0: {  	(pc) =	sbr.rel $0x88, $3  }
0x1: {  	(tag) =	ssettag $0x0;
	lr =	simm.s32 $0x1  }
0x2: {  	[smem:$0x3F9B] =	sst lr;
	_ =	strace $0xD0000000  }
0x3: {  	_ = 	snop  }
0x4: {  	_ = 	snop  }
0x5: {  	_ = 	snop  }
0x6: {  	_ = 	snop  }
0x7: {  	_ = 	snop  }
__scs_overlays_trampoline_lowered:
0x8: {  	[smem:$0x3FAA] =	sst s0  }
0x9: {  	[smem:$0x3FAB] =	sst s1  }
0xa: {  	[smem:$0x3FAC] =	sst s2  }
0xb: {  	[smem:$0x3FAD] =	sst s3  }
0xc: {  	[smem:$0x3FAE] =	sst s4  }
0xd: {  	[smem:$0x3FAF] =	sst s5  }
0xe: {  	[smem:$0x3FB0] =	sst s6  }
0xf: {  	[smem:$0x3FB1] =	sst s7  }
0x10: {  	[smem:$0x3FB2] =	sst s8  }
0x11: {  	[smem:$0x3FB3] =	sst s9;
	s0 =	simm.s32 @!p0 $0x0  }
0x12: {  	s1 =	sld [smem:$0x3F99];
	s0 =	simm.s32 @p0 $0x1  }
0x13: {  	[smem:$0x3FB4] =	sst s0;
	s0 =	simm.s32 @!p1 $0x0  }
0x14: {  	s2 =	sld [smem:$0x3F98];
	s0 =	simm.s32 @p1 $0x1  }
0x15: {  	[smem:$0x3FB5] =	sst s0;
	s0 =	simm.s32 @!p2 $0x0  }
0x16: {  	s3 =	sld [smem:$0x3FDB];
	s0 =	simm.s32 @p2 $0x1  }
0x17: {  	s4 =	simm.s32 $0x1BF5;
	[smem:$0x3FB7] =	sst s0  }
0x18: {  	s0 =	sld [smem:$0x3F9A];
	_ =	swait.ge [sflag:s4], $0x0  }
0x19: {  	s7 =	sld [smem:$0x3F9B]  }
0x1a: {  	s8 =	sadd.s32 $0xFFFFE003, lr  }
0x1b: {  	s9 =	sadd.s32 $0xFFFFFEF7, lr;
	s5 =	simm.s32 $0xFFFFFFFF;
	p2 =	slt.u32 s8, $0xFFFFF086  }
0x1c: {  	p1 =	slt.u32 s9, $0xF7A;
	s5 =	simm.s32 @!p2 $0x0  }
0x1d: {  	s5 =	simm.s32 @p1 $0x1;
	p0 =	seq.s32 s7, s2  }
0x1e: {  	s7 =	smul.u32 @!p0 $0xF7A, s2;
	p2 =	seq.s32 @!p0 s5, $0x0  }
0x1f: {  	s9 =	smul.u32 $0xF7A, s1;
	s8 =	simm.s32 @!p0 $0x1BF5;
	p2 =	por !p2, p0  }
0x20: {  	[sflag:s8] =	ssyncset.s32 @!p0 $0xFFFFF086;
	s6 =	sadd.s32 @!p0 s3, s7;
	s7 =	simm.s32 @!p0 $0x108  }
0x21: {  	s3 =	sadd.s32 s3, s9;
	s6 =	sadd.s32 @!p0 $0x88, s6;
	s7 =	simm.s32 @p2 $0x1082  }
0x22: {  	[simem:s7], [sflag:s8] =	dma.local @!p0 [hbm:s6], $0xF7A  }
0x23: {  	s9 =	sor.u32 $0xD0000000, s2;
	s6 =	simm.s32 $0x108;
	_ =	swait.ge @!p0 [sflag:s8], $0x0  }
0x24: {  	s3 =	sadd.s32 $0x88, s3;
	s6 =	simm.s32 @!p1 $0x1082;
	[sflag:s4] =	ssyncset.s32 $0xFFFFF086  }
0x25: {  	[simem:s6], [sflag:s4] =	dma.local [hbm:s3], $0xF7A  }
0x26: {  	[smem:$0x3F9B] =	sst s1;
	(tag) =	ssettag s2;
	_ =	strace s9  }
0x27: {  	s1 =	sld [smem:$0x3FAB]  }
0x28: {  	s2 =	sld [smem:$0x3FAC]  }
0x29: {  	s4 =	sld [smem:$0x3FAE]  }
0x2a: {  	p0 =	seq.s32 s5, $0x0;
	s5 =	sld [smem:$0x3FAF]  }
0x2b: {  	s6 =	sld [smem:$0x3FB0]  }
0x2c: {  	s7 =	sld [smem:$0x3FB1]  }
0x2d: {  	s3 =	simm.s32 $0x108;
	s8 =	sld [smem:$0x3FB2]  }
0x2e: {  	s3 =	simm.s32 @!p0 $0x1082;
	s9 =	sld [smem:$0x3FB3]  }
0x2f: {  	lr =	sadd.s32 s0, s3;
	s0 =	sld [smem:$0x3FAA]  }
0x30: {  	s3 =	sld [smem:$0x3FAD]  }
0x31: {  	[smem:$0x3FB6] =	sst s10  }
0x32: {  	s10 =	sld [smem:$0x3FB4];
	_ =	sdelay $0x3  }
0x33: {  	p0 =	seq.s32 s10, $0x1;
	s10 =	sld [smem:$0x3FB6];
	_ =	sdelay $0x3  }
0x34: {  	[smem:$0x3FB6] =	sst s10  }
0x35: {  	s10 =	sld [smem:$0x3FB5];
	_ =	sdelay $0x3  }
0x36: {  	p1 =	seq.s32 s10, $0x1;
	s10 =	sld [smem:$0x3FB6];
	_ =	sdelay $0x3  }
0x37: {  	[smem:$0x3FB6] =	sst s10  }
0x38: {  	s10 =	sld [smem:$0x3FB7]  }
0x39: {  	_ = 	snop;
	(pc) =	sbr.ind lr, $3  }
0x3a: {  	_ = 	snop  }
0x3b: {  	_ = 	snop  }
0x3c: {  	p2 =	seq.s32 s10, $0x1;
	s10 =	sld [smem:$0x3FB6]  }
0x3d: {  	_ =	shalt  }
0x3e: {  	_ =	shalt  }
0x3f: {  	_ =	shalt  }
0x40: {  	_ =	shalt  }
0x41: {  	_ =	shalt  }
0x42: {  	_ =	shalt  }
0x43: {  	_ =	shalt  }
0x44: {  	_ =	shalt  }
0x45: {  	_ =	shalt  }
0x46: {  	_ =	shalt  }
0x47: {  	_ =	shalt  }
0x48: {  	_ =	shalt  }
0x49: {  	_ =	shalt  }
0x4a: {  	_ =	shalt  }
0x4b: {  	_ =	shalt  }
0x4c: {  	_ =	shalt  }
0x4d: {  	_ =	shalt  }
0x4e: {  	_ =	shalt  }
0x4f: {  	_ =	shalt  }
0x50: {  	_ =	shalt  }
0x51: {  	_ =	shalt  }
0x52: {  	_ =	shalt  }
0x53: {  	_ =	shalt  }
0x54: {  	_ =	shalt  }
0x55: {  	_ =	shalt  }
0x56: {  	_ =	shalt  }
0x57: {  	_ =	shalt  }
0x58: {  	_ =	shalt  }
0x59: {  	_ =	shalt  }
0x5a: {  	_ =	shalt  }
0x5b: {  	_ =	shalt  }
0x5c: {  	_ =	shalt  }
0x5d: {  	_ =	shalt  }
0x5e: {  	_ =	shalt  }
0x5f: {  	_ =	shalt  }
0x60: {  	_ =	shalt  }
0x61: {  	_ =	shalt  }
0x62: {  	_ =	shalt  }
0x63: {  	_ =	shalt  }
0x64: {  	_ =	shalt  }
0x65: {  	_ =	shalt  }
0x66: {  	_ =	shalt  }
0x67: {  	_ =	shalt  }
0x68: {  	_ =	shalt  }
0x69: {  	_ =	shalt  }
0x6a: {  	_ =	shalt  }
0x6b: {  	_ =	shalt  }
0x6c: {  	_ =	shalt  }
0x6d: {  	_ =	shalt  }
0x6e: {  	_ =	shalt  }
0x6f: {  	_ =	shalt  }
0x70: {  	_ =	shalt  }
0x71: {  	_ =	shalt  }
0x72: {  	_ =	shalt  }
0x73: {  	_ =	shalt  }
0x74: {  	_ =	shalt  }
0x75: {  	_ =	shalt  }
0x76: {  	_ =	shalt  }
0x77: {  	_ =	shalt  }
0x78: {  	_ =	shalt  }
0x79: {  	_ =	shalt  }
0x7a: {  	_ =	shalt  }
0x7b: {  	_ =	shalt  }
0x7c: {  	_ =	shalt  }
0x7d: {  	_ =	shalt  }
0x7e: {  	_ =	shalt  }
0x7f: {  	_ =	shalt  }
0x80: {  	_ =	shalt  }
0x81: {  	_ =	shalt  }
0x82: {  	_ =	shalt  }
0x83: {  	_ =	shalt  }
0x84: {  	_ =	shalt  }
0x85: {  	_ =	shalt  }
0x86: {  	_ =	shalt  }
0x87: {  	_ =	shalt  }
.Lfunc_end0:
.L_simem_size_0:
called_computation_lowered:
.L_overlay_start_0:
0x88: {  	s2 =	sld [smem:$0x3FD9]  }
0x89: {  	s3 =	sld [smem:$0x3FFE];
	_ =	sdelay $0x1  }
0x8a: {  	s1 =	srdreg.scid  }
0x8b: {  	s0 =	sand.u32 $0x1, s1  }
0x8c: {  	s17 =	sshll.u32 s0, $0xA;
	s2 =	sadd.s32 s3, s2  }
0x8d: {  	s2 =	sadd.s32 s2, s17  }
0x8e: {  	[smem:$0x3FC2] =	sst s2  }
0x8f: {  	_ = 	snop  }
0x90: {  	s2 =	sld [smem:$0x3FC6];
	(tm) =	ssettm $0x1  }
0x91: {  	s18 =	sld [smem:$0x3FFB];
	_ =	sdelay $0x3  }
0x92: {  	_ =	strace s18  }
0x93: {  	s3 =	sld [smem:$0x3FFC];
	_ =	sdelay $0x3  }
0x94: {  	_ =	strace s3  }
0x95: {  	s3 =	sld [smem:$0x3FFD];
	_ =	sdelay $0x3  }
0x96: {  	_ =	strace s3  }
0x97: {  	_ =	strace $0x8FFFFFFF  }
0x98: {  	s19 =	sld [smem:$0x3FDB];
	_ =	sdelay $0x1  }
0x99: {  	s4 =	simm.s32 $_scs_section_size  }
0x9a: {  	s5 =	simm.s32 $_size__tile_overlayer_lowered;
	s6 =	simm.s32 $_tile_overlayer_lowered  }
0x9b: {  	s22 =	simm.s32 $0x1BFF;
	s21 =	sshll.u32 s6, $0x1;
	s3 =	sadd.s32 s4, s19  }
0x9c: {  	s7 =	simm.s32 $0x0;
	s20 =	sshll.u32 s5, $0x1;
	s5 =	sadd.s32 s21, s3  }
0x9d: {  	[timem:s7], [sflag:s22] =	dma.local [hbm:s5], s20  }
0x9e: {  	_ =	swait.ge [sflag:s22], s20  }
0x9f: {  	s4 =	ssub.s32 $0x0, s20;
	[sflag:s22] =	ssyncset.done $0x0  }
0xa0: {  	[sflag:s22] =	ssyncadd.s32 s4;
	_ =	sdelay $0x1  }
0xa1: {  	s23 =	simm.s32 $0x1B8B  }
0xa2: {  	_ =	swait.ge [sflag:s23], $0x1  }
0xa3: {  	[sflag:s23] =	ssyncset.done $0x0  }
0xa4: {  	s25 =	simm.s32 $0x1B8E;
	s24 =	sld [smem:$0x3FFE];
	[sflag:s23] =	ssyncadd.s32 $0xFFFFFFFF  }
0xa5: {  	s26 =	simm.s32 $execute0_lowered;
	[smem:$0x3FD2] =	sst s25  }
0xa6: {  	s5 =	sshll.u32 s26, $0x1;
	_ =	strace $0x80000046;
	[dreg:$0x1] =	wrdreg $0xFFFFFFFF  }
0xa7: {  	s28 =	simm.s32 $_size_execute0_lowered;
	s3 =	sadd.s32 s3, s5;
	[dreg:$0x0] =	wrdreg $0x0  }
0xa8: {  	s5 =	sshll.u32 s28, $0x1;
	[dreg:$0x2] =	wrdreg s3  }
0xa9: {  	[dreg:$0x3] =	wrdreg s5  }
0xaa: {  	[dreg:$0x4] =	wrdreg $0xC0  }
0xab: {  	_ =	task [dreg:s7], $0x5FFFF  }
0xac: {  	[dreg:$0x1] =	wrdreg $0xFFFFFFFF  }
0xad: {  	[dreg:$0x0] =	wrdreg $0x60  }
0xae: {  	[dreg:$0x2] =	wrdreg s24  }
0xaf: {  	[dreg:$0x3] =	wrdreg s2  }
0xb0: {  	[dreg:$0x4] =	wrdreg $0x9  }
0xb1: {  	_ =	task.clear_ibuf [dreg:s7], $0x5FFFF;
	_ =	strace $0x90000046  }
0xb2: {  	s29 =	simm.s32 $0x9;
	_ =	strace $0x80000048  }
0xb3: {  	_ =	swait.ge [sflag:s29], $0x1  }
0xb4: {  	[sflag:s29] =	ssyncadd.s32 $0xFFFFFFFF  }
0xb5: {  	_ =	strace $0x90000048  }
0xb6: {  	_ =	sfence  }
0xb7: {  	s30 =	sld [smem:$0x0];
	_ =	sdelay $0x2  }
0xb8: {  	s31 =	sshll.u32 s1, $0xD;
	s1 =	sshrl.u32 s1, $0x2  }
0xb9: {  	s3 =	sand.u32 $0x4000, s31;
	s1 =	sadd.s32 s1, s30  }
0xba: {  	s0 =	sor.u32 s3, s0;
	s1 =	sshll.u32 s1, $0x11  }
0xbb: {  	s0 =	sor.u32 s1, s0  }
0xbc: {  	s0 =	sadd.s32 $0x8F2B, s0  }
0xbd: {  	[sflag:s0] =	ssyncadd.remote.s32 $0x1  }
0xbe: {  	_ =	sfence.sel $0xFFFF  }
0xbf: {  	[dreg:$0x0] =	wrdreg $0xFFFFFFFF;
	(pc) =	sbr.abs _section_cstart, $3  }
0xc0: {  	[dreg:$0x1] =	wrdreg $0xFFFFFFFF  }
0xc1: {  	_ =	task.clear_ibuf [dreg:s7], $0x2FFFF;
	_ =	strace $0x9FFFFFFF  }
0xc2: {  	(tm) =	ssettm $0x7FFFFFFF  }
0xc3: {  	_ =	shalt  }
tec
execute0_lowered:
.L_overlay_start_1:
0x0: {  	(tag) =	ssettag $0x1  }
0x1: {  	s1 =	rddreg [dreg:$0x0]  }
0x2: {  	s4 =	simm.s32 $0x0;
	s0 =	srdreg.scid;
	s2 =	stileid.u32  }
0x3: {  	s17 =	simm.s32 $0x3;
	s19 =	simm.s32 $0x200;
	s20 =	simm.s32 $0xA00  }
0x4: {  	s21 =	simm.s32 $0x1200;
	s22 =	simm.s32 $0x1A00;
	s23 =	simm.s32 $0x2200  }
0x5: {  	s24 =	simm.s32 $0x5200;
	s25 =	simm.s32 $0x5A00;
	s26 =	simm.s32 $0x6200  }
0x6: {  	s28 =	simm.s32 $0x6A00;
	s29 =	simm.s32 $0x7200;
	s11 =	simm.s32 $0x0  }
0x7: {  	[smem:$0x7FF] =	sst s4;
	s0 =	sand.u32 $0x1, s0;
	s2 =	sshll.u32 s2, $0x1  }
0x8: {  	s5 =	sadd.s32 $0xA000, s1;
	s6 =	sadd.s32 $0x58200, s1;
	s2 =	sor.u32 s0, s2  }
0x9: {  	s8 =	sadd.s32 $0x5000, s1;
	s0 =	ssub.s32 $0x2, s0;
	s7 =	smul.u32 $0x1388, s2  }
0xa: {  	s9 =	sadd.s32 $0xA6400, s1;
	s3 =	sshrl.u32 s0, $0x1;
	s2 =	smul.u32 $0x138800, s2  }
0xb: {  	_ =	strace $0x80000047;
	s0 =	ssub.s32 s0, s3;
	s31 =	sshrl.u32 s7, $0x3  }
0xc: {  	s2 =	sshrl.u32 s2, $0x3;
	s12 =	sadd.s32 $0x28, s7;
	s0 =	smax.u32 s0, $0x1  }
0xd: {  	s13 =	sadd.s32 $0x50, s7;
	s10 =	sadd.s32 s8, s31;
	[dreg:$0x6] =	wrdreg s0  }
0xe: {  	v2 =	vlaneseq.u32;
	s3 =	sadd.s32 s1, s31;
	s2 =	sadd.s32 s9, s2;
	[dreg:$0x3] =	wrdreg s10  }
0xf: {  	vm0 =	vmmov $0xffff;
	v1 =	vshrl.u32 v2, $0x3;
	s0 =	simm.s32 $0x2A00;
	[dreg:$0x4] =	wrdreg s3;
	s2 =	sadd.s32 $0x26C00, s2  }
0x10: {  	v0 =	vand.u32 $0x7, v2;
	v2 =	vor.u32 $0x8, v2;
	v1 =	vmul.u32 $0x8, v1;
	s3 =	simm.s32 $0x2;
	[dreg:$0x5] =	wrdreg s2;
	s2 =	simm.s32 $0x1  }
.LBB2_1:
0x11: {  	[dreg:$0x7] =	wrdreg s11  }
0x12: {  	s10 =	rddreg [dreg:$0x1];
	s16 =	simm.s32 $0xA200  }
0x13: {  	[tilespmem:s16], [sflag:$0x3] =	stream.linear.gather [hbm4b:s10+s4], $0x100, $0x38;
	[tilespmem:$0xA300] =	vst v63  }
0x14: {  	_ =	swait.ge [sflag:s17], $0x100  }
0x15: {  	[sflag:s17] =	ssyncset.done $0x0  }
0x16: {  	[sflag:s17] =	ssyncadd.s32 $0xFFFFFF00  }
0x17: {  	v10 =	vld [tilespmem:$0xA200]  }
0x18: {  	v11 =	vld [tilespmem:$0xA210]  }
0x19: {  	v13 =	vld [tilespmem:$0xA220]  }
0x1a: {  	v14 =	vld [tilespmem:$0xA230]  }
0x1b: {  	v15 =	vld [tilespmem:$0xA240]  }
0x1c: {  	v17 =	vld [tilespmem:$0xA250]  }
0x1d: {  	v18 =	vld [tilespmem:$0xA260]  }
0x1e: {  	v16 =	vld [tilespmem:$0xA270]  }
0x1f: {  	v12 =	vld [tilespmem:$0xA280]  }
0x20: {  	v9 =	vld [tilespmem:$0xA290]  }
0x21: {  	v8 =	vld [tilespmem:$0xA2A0]  }
0x22: {  	v7 =	vld [tilespmem:$0xA2B0]  }
0x23: {  	v6 =	vld [tilespmem:$0xA2C0]  }
0x24: {  	v5 =	vld [tilespmem:$0xA2D0]  }
0x25: {  	s18 =	rddreg [dreg:$0x3];
	v4 =	vld [tilespmem:$0xA2E0]  }
0x26: {  	v3 =	vld [tilespmem:$0xA2F0];
	[tilespmem:s4], [sflag:$0x3] =	stream.linear.gather [hbm4b:s18+s4], $0x28, $0x38  }
0x27: {  	_ =	swait.ge [sflag:s17], $0x28  }
0x28: {  	[sflag:s17] =	ssyncset.done $0x0  }
0x29: {  	s31 =	simm.s32 $0x100;
	s30 =	rddreg [dreg:$0x4];
	[sflag:s17] =	ssyncadd.s32 $0xFFFFFFD8  }
0x2a: {  	[tilespmem:s31], [sflag:$0x3] =	stream.linear.gather [hbm4b:s30+s4], $0x28, $0x38;
	[tilespmem:$0xA300] =	vst v63  }
0x2b: {  	_ =	swait.ge [sflag:s17], $0x28  }
0x2c: {  	[sflag:s17] =	ssyncset.done $0x0  }
0x2d: {  	[sflag:s17] =	ssyncadd.s32 $0xFFFFFFD8  }
0x2e: {  	v19 =	vld [tilespmem:$0x0];
	_ =	sdelay $0x4  }
0x2f: {  	v20 =	vshll.u32 v19, $0x1  }
0x30: {  	v19 =	vand.u32 $0x7, v19;
	v20 =	vand.u32 $0xFFFFFFF0, v20  }
0x31: {  	v19 =	vor.u32 v19, v20  }
0x32: {  	v20 =	vperm.xlane v19, v0;
	_ =	sdelay $0x1  }
0x33: {  	v19 =	vperm.xlane v19, v2;
	v20 =	vadd.s32 v1, v20;
	_ =	sdelay $0x1  }
0x34: {  	v19 =	vadd.s32 v1, v19;
	_ =	sdelay $0x2  }
0x35: {  	[tilespmem:s19], [sflag:$0x1] =	stream.indirect_vreg.gather [hbm4b:s5+s4], $0x80, v20, vm0, $0xb8;
	[tilespmem:$0xA300] =	vst v63  }
0x36: {  	_ = 	snop  }
0x37: {  	[tilespmem:s20], [sflag:$0x1] =	stream.indirect_vreg.gather [hbm4b:s5+s4], $0x80, v19, vm0, $0xb8;
	[tilespmem:$0xA300] =	vst v63  }
0x38: {  	v19 =	vld [tilespmem:$0x10];
	_ =	sdelay $0x4  }
0x39: {  	v20 =	vshll.u32 v19, $0x1  }
0x3a: {  	v19 =	vand.u32 $0x7, v19;
	v20 =	vand.u32 $0xFFFFFFF0, v20  }
0x3b: {  	v19 =	vor.u32 v19, v20  }
0x3c: {  	v20 =	vperm.xlane v19, v0;
	_ =	sdelay $0x1  }
0x3d: {  	v19 =	vperm.xlane v19, v2;
	v20 =	vadd.s32 v1, v20;
	_ =	sdelay $0x1  }
0x3e: {  	v19 =	vadd.s32 v1, v19;
	_ =	sdelay $0x2  }
0x3f: {  	[tilespmem:s21], [sflag:$0x1] =	stream.indirect_vreg.gather [hbm4b:s5+s4], $0x80, v20, vm0, $0xb8;
	[tilespmem:$0xA300] =	vst v63  }
0x40: {  	_ = 	snop  }
0x41: {  	[tilespmem:s22], [sflag:$0x1] =	stream.indirect_vreg.gather [hbm4b:s5+s4], $0x80, v19, vm0, $0xb8;
	[tilespmem:$0xA300] =	vst v63  }
0x42: {  	v19 =	vld.msk [tilespmem:$0x20], $0xff;
	_ =	sdelay $0x4  }
0x43: {  	v20 =	vshll.u32 v19, $0x1  }
0x44: {  	v19 =	vand.u32 $0x7, v19;
	v20 =	vand.u32 $0xFFFFFFF0, v20  }
0x45: {  	v19 =	vor.u32 v19, v20  }
0x46: {  	v19 =	vperm.xlane v19, v0;
	_ =	sdelay $0x1  }
0x47: {  	v19 =	vadd.s32 v1, v19;
	_ =	sdelay $0x4  }
0x48: {  	[tilespmem:s23], [sflag:$0x1] =	stream.indirect_vreg.gather [hbm4b:s5+s4], $0x80, v19, vm0, $0xb8;
	[tilespmem:$0xA300] =	vst v63  }
0x49: {  	v19 =	vld [tilespmem:$0x100];
	_ =	sdelay $0x4  }
0x4a: {  	v20 =	vshll.u32 v19, $0x1  }
0x4b: {  	v19 =	vand.u32 $0x7, v19;
	v20 =	vand.u32 $0xFFFFFFF0, v20  }
0x4c: {  	v19 =	vor.u32 v19, v20  }
0x4d: {  	v20 =	vperm.xlane v19, v0;
	_ =	sdelay $0x1  }
0x4e: {  	v19 =	vperm.xlane v19, v2;
	v20 =	vadd.s32 v1, v20;
	_ =	sdelay $0x1  }
0x4f: {  	v19 =	vadd.s32 v1, v19;
	_ =	sdelay $0x2  }
0x50: {  	[tilespmem:s24], [sflag:$0x1] =	stream.indirect_vreg.gather [hbm4b:s6+s4], $0x80, v20, vm0, $0xb8;
	[tilespmem:$0xA300] =	vst v63  }
0x51: {  	_ = 	snop  }
0x52: {  	[tilespmem:s25], [sflag:$0x1] =	stream.indirect_vreg.gather [hbm4b:s6+s4], $0x80, v19, vm0, $0xb8;
	[tilespmem:$0xA300] =	vst v63  }
0x53: {  	v19 =	vld [tilespmem:$0x110];
	_ =	sdelay $0x4  }
0x54: {  	v20 =	vshll.u32 v19, $0x1  }
0x55: {  	v19 =	vand.u32 $0x7, v19;
	v20 =	vand.u32 $0xFFFFFFF0, v20  }
0x56: {  	v19 =	vor.u32 v19, v20  }
0x57: {  	v20 =	vperm.xlane v19, v0;
	_ =	sdelay $0x1  }
0x58: {  	v19 =	vperm.xlane v19, v2;
	v20 =	vadd.s32 v1, v20;
	_ =	sdelay $0x1  }
0x59: {  	v19 =	vadd.s32 v1, v19;
	_ =	sdelay $0x2  }
0x5a: {  	[tilespmem:s26], [sflag:$0x1] =	stream.indirect_vreg.gather [hbm4b:s6+s4], $0x80, v20, vm0, $0xb8;
	[tilespmem:$0xA300] =	vst v63  }
0x5b: {  	_ = 	snop  }
0x5c: {  	[tilespmem:s28], [sflag:$0x1] =	stream.indirect_vreg.gather [hbm4b:s6+s4], $0x80, v19, vm0, $0xb8;
	[tilespmem:$0xA300] =	vst v63  }
0x5d: {  	v19 =	vld.msk [tilespmem:$0x120], $0xff;
	_ =	sdelay $0x4  }
0x5e: {  	v20 =	vshll.u32 v19, $0x1  }
0x5f: {  	v19 =	vand.u32 $0x7, v19;
	v20 =	vand.u32 $0xFFFFFFF0, v20  }
0x60: {  	v19 =	vor.u32 v19, v20  }
0x61: {  	v19 =	vperm.xlane v19, v0;
	_ =	sdelay $0x1  }
0x62: {  	v19 =	vadd.s32 v1, v19;
	_ =	sdelay $0x3  }
0x63: {  	s16 =	simm.s32 $0x0  }
0x64: {  	[tilespmem:s29], [sflag:$0x1] =	stream.indirect_vreg.gather [hbm4b:s6+s4], $0x80, v19, vm0, $0xb8;
	[tilespmem:$0xA300] =	vst v63  }
.LBB2_2:
0x65: {  	s11 =	smul.u32 $0x50, s16;
	_ =	sdelay $0x1  }
0x66: {  	s10 =	sadd.s32 s11, s12  }
0x67: {  	s15 =	sshrl.u32 s10, $0x3  }
0x68: {  	s14 =	simm.s32 $0x0;
	s18 =	simm.s32 $0x80;
	s30 =	sadd.s32 s8, s15  }
0x69: {  	[tilespmem:s18], [sflag:$0x3] =	stream.linear.gather [hbm4b:s30+s14], $0x28, $0x38;
	[tilespmem:$0xA300] =	vst v63  }
0x6a: {  	_ =	swait.ge [sflag:s17], $0x28  }
0x6b: {  	[sflag:s17] =	ssyncset.done $0x0  }
0x6c: {  	s31 =	simm.s32 $0x180;
	s15 =	sadd.s32 s1, s15;
	[sflag:s17] =	ssyncadd.s32 $0xFFFFFFD8  }
0x6d: {  	[tilespmem:s31], [sflag:$0x3] =	stream.linear.gather [hbm4b:s15+s14], $0x28, $0x38;
	[tilespmem:$0xA300] =	vst v63  }
0x6e: {  	_ =	swait.ge [sflag:s17], $0x28  }
0x6f: {  	[sflag:s17] =	ssyncset.done $0x0  }
0x70: {  	[sflag:s17] =	ssyncadd.s32 $0xFFFFFFD8  }
0x71: {  	v19 =	vld [tilespmem:$0x80];
	_ =	sdelay $0x4  }
0x72: {  	v20 =	vshll.u32 v19, $0x1  }
0x73: {  	v19 =	vand.u32 $0x7, v19;
	v20 =	vand.u32 $0xFFFFFFF0, v20  }
0x74: {  	v19 =	vor.u32 v19, v20  }
0x75: {  	v20 =	vperm.xlane v19, v0;
	_ =	sdelay $0x1  }
0x76: {  	v19 =	vperm.xlane v19, v2;
	v20 =	vadd.s32 v1, v20;
	_ =	sdelay $0x1  }
0x77: {  	v19 =	vadd.s32 v1, v19;
	_ =	sdelay $0x2  }
0x78: {  	[tilespmem:s0], [sflag:$0x2] =	stream.indirect_vreg.gather [hbm4b:s5+s14], $0x80, v20, vm0, $0xb8;
	[tilespmem:$0xA300] =	vst v63  }
0x79: {  	s18 =	simm.s32 $0x3200  }
0x7a: {  	[tilespmem:s18], [sflag:$0x2] =	stream.indirect_vreg.gather [hbm4b:s5+s14], $0x80, v19, vm0, $0xb8;
	[tilespmem:$0xA300] =	vst v63  }
0x7b: {  	v19 =	vld [tilespmem:$0x90];
	_ =	sdelay $0x4  }
0x7c: {  	v20 =	vshll.u32 v19, $0x1  }
0x7d: {  	v19 =	vand.u32 $0x7, v19;
	v20 =	vand.u32 $0xFFFFFFF0, v20  }
0x7e: {  	v19 =	vor.u32 v19, v20  }
0x7f: {  	v20 =	vperm.xlane v19, v0;
	_ =	sdelay $0x1  }
0x80: {  	v19 =	vperm.xlane v19, v2;
	v20 =	vadd.s32 v1, v20;
	_ =	sdelay $0x1  }
0x81: {  	v19 =	vadd.s32 v1, v19;
	_ =	sdelay $0x1  }
0x82: {  	s31 =	simm.s32 $0x3A00  }
0x83: {  	[tilespmem:s31], [sflag:$0x2] =	stream.indirect_vreg.gather [hbm4b:s5+s14], $0x80, v20, vm0, $0xb8;
	[tilespmem:$0xA300] =	vst v63  }
0x84: {  	s18 =	simm.s32 $0x4200  }
0x85: {  	[tilespmem:s18], [sflag:$0x2] =	stream.indirect_vreg.gather [hbm4b:s5+s14], $0x80, v19, vm0, $0xb8;
	[tilespmem:$0xA300] =	vst v63  }
0x86: {  	v19 =	vld.msk [tilespmem:$0xA0], $0xff;
	_ =	sdelay $0x4  }
0x87: {  	v20 =	vshll.u32 v19, $0x1  }
0x88: {  	v19 =	vand.u32 $0x7, v19;
	v20 =	vand.u32 $0xFFFFFFF0, v20  }
0x89: {  	v19 =	vor.u32 v19, v20  }
0x8a: {  	v19 =	vperm.xlane v19, v0;
	_ =	sdelay $0x1  }
0x8b: {  	v19 =	vadd.s32 v1, v19;
	_ =	sdelay $0x3  }
0x8c: {  	s31 =	simm.s32 $0x4A00  }
0x8d: {  	[tilespmem:s31], [sflag:$0x2] =	stream.indirect_vreg.gather [hbm4b:s5+s14], $0x80, v19, vm0, $0xb8;
	[tilespmem:$0xA300] =	vst v63  }
0x8e: {  	v19 =	vld [tilespmem:$0x180];
	_ =	sdelay $0x4  }
0x8f: {  	v20 =	vshll.u32 v19, $0x1  }
0x90: {  	v19 =	vand.u32 $0x7, v19;
	v20 =	vand.u32 $0xFFFFFFF0, v20  }
0x91: {  	v19 =	vor.u32 v19, v20  }
0x92: {  	v20 =	vperm.xlane v19, v0;
	_ =	sdelay $0x1  }
0x93: {  	v19 =	vperm.xlane v19, v2;
	v20 =	vadd.s32 v1, v20;
	_ =	sdelay $0x1  }
0x94: {  	v19 =	vadd.s32 v1, v19;
	_ =	sdelay $0x1  }
0x95: {  	s18 =	simm.s32 $0x7A00  }
0x96: {  	[tilespmem:s18], [sflag:$0x2] =	stream.indirect_vreg.gather [hbm4b:s6+s14], $0x80, v20, vm0, $0xb8;
	[tilespmem:$0xA300] =	vst v63  }
0x97: {  	s31 =	simm.s32 $0x8200  }
0x98: {  	[tilespmem:s31], [sflag:$0x2] =	stream.indirect_vreg.gather [hbm4b:s6+s14], $0x80, v19, vm0, $0xb8;
	[tilespmem:$0xA300] =	vst v63  }
0x99: {  	v19 =	vld [tilespmem:$0x190];
	_ =	sdelay $0x4  }
0x9a: {  	v20 =	vshll.u32 v19, $0x1  }
0x9b: {  	v19 =	vand.u32 $0x7, v19;
	v20 =	vand.u32 $0xFFFFFFF0, v20  }
0x9c: {  	v19 =	vor.u32 v19, v20  }
0x9d: {  	v20 =	vperm.xlane v19, v0;
	_ =	sdelay $0x1  }
0x9e: {  	v19 =	vperm.xlane v19, v2;
	v20 =	vadd.s32 v1, v20;
	_ =	sdelay $0x1  }
0x9f: {  	v19 =	vadd.s32 v1, v19;
	_ =	sdelay $0x1  }
0xa0: {  	s18 =	simm.s32 $0x8A00  }
0xa1: {  	[tilespmem:s18], [sflag:$0x2] =	stream.indirect_vreg.gather [hbm4b:s6+s14], $0x80, v20, vm0, $0xb8;
	[tilespmem:$0xA300] =	vst v63  }
0xa2: {  	s31 =	simm.s32 $0x9200  }
0xa3: {  	[tilespmem:s31], [sflag:$0x2] =	stream.indirect_vreg.gather [hbm4b:s6+s14], $0x80, v19, vm0, $0xb8;
	[tilespmem:$0xA300] =	vst v63  }
0xa4: {  	v19 =	vld.msk [tilespmem:$0x1A0], $0xff;
	_ =	sdelay $0x4  }
0xa5: {  	v20 =	vshll.u32 v19, $0x1  }
0xa6: {  	v19 =	vand.u32 $0x7, v19;
	v20 =	vand.u32 $0xFFFFFFF0, v20  }
0xa7: {  	v19 =	vor.u32 v19, v20  }
0xa8: {  	v19 =	vperm.xlane v19, v0;
	_ =	sdelay $0x1  }
0xa9: {  	v19 =	vadd.s32 v1, v19;
	_ =	sdelay $0x3  }
0xaa: {  	s18 =	simm.s32 $0x9A00  }
0xab: {  	[tilespmem:s18], [sflag:$0x2] =	stream.indirect_vreg.gather [hbm4b:s6+s14], $0x80, v19, vm0, $0xb8;
	[tilespmem:$0xA300] =	vst v63  }
0xac: {  	_ =	swait.ge [sflag:s2], $0x2800  }
0xad: {  	[sflag:s2] =	ssyncset.done $0x0  }
0xae: {  	[sflag:s2] =	ssyncadd.s32 $0xFFFFD800  }
0xaf: {  	_ =	swait.ge [sflag:s2], $0x2800  }
0xb0: {  	s31 =	sand.u32 $0x3800, s14;
	s14 =	sand.u32 $0x380, s14;
	[sflag:s2] =	ssyncset.done $0x0  }
0xb1: {  	s14 =	sor.u32 s14, s31;
	[sflag:s2] =	ssyncadd.s32 $0xFFFFD800  }
0xb2: {  	v26 =	vld [tilespmem:s14+$0x5200]  }
0xb3: {  	v27 =	vld [tilespmem:s14+$0x5210]  }
0xb4: {  	v28 =	vld [tilespmem:s14+$0x5220]  }
0xb5: {  	v29 =	vld [tilespmem:s14+$0x5230]  }
0xb6: {  	v30 =	vld [tilespmem:s14+$0x5240]  }
0xb7: {  	v31 =	vld [tilespmem:s14+$0x5250]  }
0xb8: {  	v32 =	vld [tilespmem:s14+$0x5260]  }
0xb9: {  	v34 =	vld [tilespmem:s14+$0x5270]  }
0xba: {  	v35 =	vld [tilespmem:s14+$0x5600]  }
0xbb: {  	v25 =	vld [tilespmem:s14+$0x5610]  }
0xbc: {  	v24 =	vld [tilespmem:s14+$0x5620]  }
0xbd: {  	v23 =	vld [tilespmem:s14+$0x5630]  }
0xbe: {  	v22 =	vld [tilespmem:s14+$0x5640]  }
0xbf: {  	v21 =	vld [tilespmem:s14+$0x5650]  }
0xc0: {  	v20 =	vld [tilespmem:s14+$0x5660]  }
0xc1: {  	v19 =	vld [tilespmem:s14+$0x5670]  }
0xc2: {  	v33 =	vld [tilespmem:s14+$0x200]  }
0xc3: {  	v36 =	vld [tilespmem:s14+$0x210]  }
0xc4: {  	v37 =	vld [tilespmem:s14+$0x220]  }
0xc5: {  	v38 =	vld [tilespmem:s14+$0x230]  }
0xc6: {  	v39 =	vld [tilespmem:s14+$0x240]  }
0xc7: {  	v60 =	vld [tilespmem:s14+$0x250];
	v26 =	vadd.f32 v26, v33  }
0xc8: {  	v61 =	vld [tilespmem:s14+$0x260];
	v27 =	vadd.f32 v27, v36  }
0xc9: {  	v62 =	vld [tilespmem:s14+$0x270];
	v28 =	vadd.f32 v28, v37;
	v26 =	vadd.f32 v26, v10  }
0xca: {  	v40 =	vld [tilespmem:s14+$0x600];
	v38 =	vadd.f32 v29, v38;
	v27 =	vadd.f32 v27, v11  }
0xcb: {  	v29 =	vld [tilespmem:s14+$0x610];
	[tilespmem:s14+$0x200] =	vst v26;
	v26 =	vadd.f32 v28, v13;
	v28 =	vadd.f32 v30, v39  }
0xcc: {  	v31 =	vadd.f32 v31, v60;
	[tilespmem:s14+$0x210] =	vst v27;
	v30 =	vadd.f32 v38, v14;
	v27 =	vld [tilespmem:s14+$0x620]  }
0xcd: {  	v32 =	vadd.f32 v32, v61;
	[tilespmem:s14+$0x220] =	vst v26;
	v63 =	vadd.f32 v28, v15;
	v26 =	vld [tilespmem:s14+$0x630]  }
0xce: {  	v34 =	vadd.f32 v34, v62;
	v33 =	vadd.f32 v31, v17;
	[tilespmem:s14+$0x230] =	vst v30;
	v28 =	vld [tilespmem:s14+$0x640]  }
0xcf: {  	s30 =	simm.s32 $0x100;
	s15 =	simm.s32 $0x80;
	v31 =	vadd.f32 v32, v18;
	v32 =	vadd.f32 v35, v40;
	v30 =	vld [tilespmem:s14+$0x650];
	[tilespmem:s14+$0x240] =	vst v63  }
.LBB2_3:
0xd0: {  	s31 =	sand.u32 $0x3800, s30;
	s18 =	sand.u32 $0x380, s15;
	p0 =	sne.s32 s30, $0x2700;
	[tilespmem:s14+$0x250] =	vst v33;
	v33 =	vadd.f32 v34, v16;
	v25 =	vadd.f32 v25, v29;
	v29 =	vld [tilespmem:s14+$0x660]  }
0xd1: {  	s18 =	sor.u32 s18, s31;
	[tilespmem:s14+$0x260] =	vst v31;
	v31 =	vadd.f32 v32, v12;
	v24 =	vadd.f32 v24, v27;
	v27 =	vld [tilespmem:s14+$0x670]  }
0xd2: {  	v32 =	vld [tilespmem:s18+$0x5200];
	[tilespmem:s14+$0x270] =	vst v33;
	v25 =	vadd.f32 v25, v9;
	v23 =	vadd.f32 v23, v26  }
0xd3: {  	v26 =	vld [tilespmem:s18+$0x5210];
	[tilespmem:s14+$0x600] =	vst v31;
	v24 =	vadd.f32 v24, v8;
	v22 =	vadd.f32 v22, v28  }
0xd4: {  	v28 =	vld [tilespmem:s18+$0x5220];
	[tilespmem:s14+$0x610] =	vst v25;
	v23 =	vadd.f32 v23, v7;
	v21 =	vadd.f32 v21, v30  }
0xd5: {  	v30 =	vld [tilespmem:s18+$0x5230];
	[tilespmem:s14+$0x620] =	vst v24;
	v22 =	vadd.f32 v22, v6;
	v20 =	vadd.f32 v20, v29  }
0xd6: {  	v29 =	vld [tilespmem:s18+$0x5240];
	[tilespmem:s14+$0x630] =	vst v23;
	v21 =	vadd.f32 v21, v5;
	v19 =	vadd.f32 v19, v27  }
0xd7: {  	v27 =	vld [tilespmem:s18+$0x5250];
	[tilespmem:s14+$0x640] =	vst v22;
	v20 =	vadd.f32 v20, v4  }
0xd8: {  	v31 =	vld [tilespmem:s18+$0x5260];
	[tilespmem:s14+$0x650] =	vst v21;
	v19 =	vadd.f32 v19, v3  }
0xd9: {  	v34 =	vld [tilespmem:s18+$0x5270];
	[tilespmem:s14+$0x660] =	vst v20  }
0xda: {  	v35 =	vld [tilespmem:s18+$0x5600];
	[tilespmem:s14+$0x670] =	vst v19;
	s14 =	smov.u32 s18  }
0xdb: {  	v25 =	vld [tilespmem:s14+$0x5610]  }
0xdc: {  	v24 =	vld [tilespmem:s14+$0x5620]  }
0xdd: {  	v23 =	vld [tilespmem:s14+$0x5630]  }
0xde: {  	v22 =	vld [tilespmem:s14+$0x5640]  }
0xdf: {  	v21 =	vld [tilespmem:s14+$0x5650]  }
0xe0: {  	v20 =	vld [tilespmem:s14+$0x5660]  }
0xe1: {  	v19 =	vld [tilespmem:s14+$0x5670]  }
0xe2: {  	v33 =	vld [tilespmem:s14+$0x200]  }
0xe3: {  	v36 =	vld [tilespmem:s14+$0x210]  }
0xe4: {  	v37 =	vld [tilespmem:s14+$0x220]  }
0xe5: {  	v38 =	vld [tilespmem:s14+$0x230]  }
0xe6: {  	v39 =	vld [tilespmem:s14+$0x240]  }
0xe7: {  	v32 =	vadd.f32 v32, v33;
	v33 =	vld [tilespmem:s14+$0x250]  }
0xe8: {  	v26 =	vadd.f32 v26, v36;
	v36 =	vld [tilespmem:s14+$0x260]  }
0xe9: {  	v32 =	vadd.f32 v32, v10;
	v28 =	vadd.f32 v28, v37;
	v37 =	vld [tilespmem:s14+$0x270]  }
0xea: {  	v26 =	vadd.f32 v26, v11;
	v30 =	vadd.f32 v30, v38;
	v38 =	vld [tilespmem:s14+$0x600]  }
.Ltmp0:
0xeb: {  	[tilespmem:s14+$0x200] =	vst v32;
	v28 =	vadd.f32 v28, v13;
	v32 =	vadd.f32 v29, v39;
	v29 =	vld [tilespmem:s14+$0x610];
	(pc) =	sbr.rel @p0 .LBB2_3-.Ltmp0, $4  }
0xec: {  	[tilespmem:s14+$0x210] =	vst v26;
	v30 =	vadd.f32 v30, v14;
	v33 =	vadd.f32 v27, v33;
	v27 =	vld [tilespmem:s14+$0x620]  }
0xed: {  	[tilespmem:s14+$0x220] =	vst v28;
	v32 =	vadd.f32 v32, v15;
	v31 =	vadd.f32 v31, v36;
	v26 =	vld [tilespmem:s14+$0x630]  }
0xee: {  	[tilespmem:s14+$0x230] =	vst v30;
	v33 =	vadd.f32 v33, v17;
	v34 =	vadd.f32 v34, v37;
	v28 =	vld [tilespmem:s14+$0x640]  }
0xef: {  	s15 =	sadd.s32 $0x80, s15;
	s30 =	sadd.s32 $0x100, s30;
	[tilespmem:s14+$0x240] =	vst v32;
	v31 =	vadd.f32 v31, v18;
	v32 =	vadd.f32 v35, v38;
	v30 =	vld [tilespmem:s14+$0x650]  }
0xf0: {  	[tilespmem:s14+$0x250] =	vst v33;
	v56 =	vadd.f32 v34, v16;
	v25 =	vadd.f32 v25, v29;
	v29 =	vld [tilespmem:s14+$0x660]  }
0xf1: {  	[tilespmem:s14+$0x260] =	vst v31;
	v31 =	vadd.f32 v32, v12;
	v24 =	vadd.f32 v24, v27;
	v27 =	vld [tilespmem:s14+$0x670]  }
0xf2: {  	[tilespmem:s14+$0x270] =	vst v56;
	v25 =	vadd.f32 v25, v9;
	v23 =	vadd.f32 v23, v26  }
0xf3: {  	[tilespmem:s14+$0x600] =	vst v31;
	v24 =	vadd.f32 v24, v8;
	v22 =	vadd.f32 v22, v28  }
0xf4: {  	[tilespmem:s14+$0x610] =	vst v25;
	v23 =	vadd.f32 v23, v7;
	v21 =	vadd.f32 v21, v30  }
0xf5: {  	[tilespmem:s14+$0x620] =	vst v24;
	v22 =	vadd.f32 v22, v6;
	v20 =	vadd.f32 v20, v29  }
0xf6: {  	[tilespmem:s14+$0x630] =	vst v23;
	v21 =	vadd.f32 v21, v5;
	v19 =	vadd.f32 v19, v27  }
0xf7: {  	[tilespmem:s14+$0x640] =	vst v22;
	v20 =	vadd.f32 v20, v4  }
0xf8: {  	s15 =	sadd.s32 s7, s11;
	[tilespmem:s14+$0x650] =	vst v21;
	v19 =	vadd.f32 v19, v3  }
0xf9: {  	s15 =	sshll.u32 s15, $0x5;
	[tilespmem:s14+$0x660] =	vst v20  }
0xfa: {  	s15 =	sadd.s32 s9, s15;
	[tilespmem:s14+$0x670] =	vst v19;
	s14 =	simm.s32 $0x0  }
0xfb: {  	[hbm4b:s15+s14] =	stream.linear.scatter [tilespmem:s19], [sflag:$0x3], $0x2800, $0x38;
	[tilespmem:$0xA300] =	vst v63  }
0xfc: {  	s15 =	sadd.s32 s11, s13;
	_ =	swait.ge [sflag:s17], $0x2800  }
0xfd: {  	s11 =	sshrl.u32 s15, $0x3;
	[sflag:s17] =	ssyncset.done $0x0  }
0xfe: {  	s18 =	sadd.s32 s8, s11;
	[sflag:s17] =	ssyncadd.s32 $0xFFFFD800  }
0xff: {  	[tilespmem:s14], [sflag:$0x3] =	stream.linear.gather [hbm4b:s18+s14], $0x28, $0x38;
	[tilespmem:$0xA300] =	vst v63  }
0x100: {  	_ =	swait.ge [sflag:s17], $0x28  }
0x101: {  	[sflag:s17] =	ssyncset.done $0x0  }
0x102: {  	s30 =	simm.s32 $0x100;
	s11 =	sadd.s32 s1, s11;
	[sflag:s17] =	ssyncadd.s32 $0xFFFFFFD8  }
0x103: {  	[tilespmem:s30], [sflag:$0x3] =	stream.linear.gather [hbm4b:s11+s14], $0x28, $0x38;
	[tilespmem:$0xA300] =	vst v63  }
0x104: {  	_ =	swait.ge [sflag:s17], $0x28  }
0x105: {  	[sflag:s17] =	ssyncset.done $0x0  }
0x106: {  	[sflag:s17] =	ssyncadd.s32 $0xFFFFFFD8  }
0x107: {  	v19 =	vld [tilespmem:$0x0];
	_ =	sdelay $0x4  }
0x108: {  	v20 =	vshll.u32 v19, $0x1  }
0x109: {  	v19 =	vand.u32 $0x7, v19;
	v20 =	vand.u32 $0xFFFFFFF0, v20  }
0x10a: {  	v19 =	vor.u32 v19, v20  }
0x10b: {  	v20 =	vperm.xlane v19, v0;
	_ =	sdelay $0x1  }
0x10c: {  	v19 =	vperm.xlane v19, v2;
	v20 =	vadd.s32 v1, v20;
	_ =	sdelay $0x1  }
0x10d: {  	v19 =	vadd.s32 v1, v19;
	_ =	sdelay $0x2  }
0x10e: {  	[tilespmem:s19], [sflag:$0x1] =	stream.indirect_vreg.gather [hbm4b:s5+s14], $0x80, v20, vm0, $0xb8;
	[tilespmem:$0xA300] =	vst v63  }
0x10f: {  	_ = 	snop  }
0x110: {  	[tilespmem:s20], [sflag:$0x1] =	stream.indirect_vreg.gather [hbm4b:s5+s14], $0x80, v19, vm0, $0xb8;
	[tilespmem:$0xA300] =	vst v63  }
0x111: {  	v19 =	vld [tilespmem:$0x10];
	_ =	sdelay $0x4  }
0x112: {  	v20 =	vshll.u32 v19, $0x1  }
0x113: {  	v19 =	vand.u32 $0x7, v19;
	v20 =	vand.u32 $0xFFFFFFF0, v20  }
0x114: {  	v19 =	vor.u32 v19, v20  }
0x115: {  	v20 =	vperm.xlane v19, v0;
	_ =	sdelay $0x1  }
0x116: {  	v19 =	vperm.xlane v19, v2;
	v20 =	vadd.s32 v1, v20;
	_ =	sdelay $0x1  }
0x117: {  	v19 =	vadd.s32 v1, v19;
	_ =	sdelay $0x2  }
0x118: {  	[tilespmem:s21], [sflag:$0x1] =	stream.indirect_vreg.gather [hbm4b:s5+s14], $0x80, v20, vm0, $0xb8;
	[tilespmem:$0xA300] =	vst v63  }
0x119: {  	_ = 	snop  }
0x11a: {  	[tilespmem:s22], [sflag:$0x1] =	stream.indirect_vreg.gather [hbm4b:s5+s14], $0x80, v19, vm0, $0xb8;
	[tilespmem:$0xA300] =	vst v63  }
0x11b: {  	v19 =	vld.msk [tilespmem:$0x20], $0xff;
	_ =	sdelay $0x4  }
0x11c: {  	v20 =	vshll.u32 v19, $0x1  }
0x11d: {  	v19 =	vand.u32 $0x7, v19;
	v20 =	vand.u32 $0xFFFFFFF0, v20  }
0x11e: {  	v19 =	vor.u32 v19, v20  }
0x11f: {  	v19 =	vperm.xlane v19, v0;
	_ =	sdelay $0x1  }
0x120: {  	v19 =	vadd.s32 v1, v19;
	_ =	sdelay $0x4  }
0x121: {  	[tilespmem:s23], [sflag:$0x1] =	stream.indirect_vreg.gather [hbm4b:s5+s14], $0x80, v19, vm0, $0xb8;
	[tilespmem:$0xA300] =	vst v63  }
0x122: {  	v19 =	vld [tilespmem:$0x100];
	_ =	sdelay $0x4  }
0x123: {  	v20 =	vshll.u32 v19, $0x1  }
0x124: {  	v19 =	vand.u32 $0x7, v19;
	v20 =	vand.u32 $0xFFFFFFF0, v20  }
0x125: {  	v19 =	vor.u32 v19, v20  }
0x126: {  	v20 =	vperm.xlane v19, v0;
	_ =	sdelay $0x1  }
0x127: {  	v19 =	vperm.xlane v19, v2;
	v20 =	vadd.s32 v1, v20;
	_ =	sdelay $0x1  }
0x128: {  	v19 =	vadd.s32 v1, v19;
	_ =	sdelay $0x2  }
0x129: {  	[tilespmem:s24], [sflag:$0x1] =	stream.indirect_vreg.gather [hbm4b:s6+s14], $0x80, v20, vm0, $0xb8;
	[tilespmem:$0xA300] =	vst v63  }
0x12a: {  	_ = 	snop  }
0x12b: {  	[tilespmem:s25], [sflag:$0x1] =	stream.indirect_vreg.gather [hbm4b:s6+s14], $0x80, v19, vm0, $0xb8;
	[tilespmem:$0xA300] =	vst v63  }
0x12c: {  	v19 =	vld [tilespmem:$0x110];
	_ =	sdelay $0x4  }
0x12d: {  	v20 =	vshll.u32 v19, $0x1  }
0x12e: {  	v19 =	vand.u32 $0x7, v19;
	v20 =	vand.u32 $0xFFFFFFF0, v20  }
0x12f: {  	v19 =	vor.u32 v19, v20  }
0x130: {  	v20 =	vperm.xlane v19, v0;
	_ =	sdelay $0x1  }
0x131: {  	v19 =	vperm.xlane v19, v2;
	v20 =	vadd.s32 v1, v20;
	_ =	sdelay $0x1  }
0x132: {  	v19 =	vadd.s32 v1, v19;
	_ =	sdelay $0x2  }
0x133: {  	[tilespmem:s26], [sflag:$0x1] =	stream.indirect_vreg.gather [hbm4b:s6+s14], $0x80, v20, vm0, $0xb8;
	[tilespmem:$0xA300] =	vst v63  }
0x134: {  	_ = 	snop  }
0x135: {  	[tilespmem:s28], [sflag:$0x1] =	stream.indirect_vreg.gather [hbm4b:s6+s14], $0x80, v19, vm0, $0xb8;
	[tilespmem:$0xA300] =	vst v63  }
0x136: {  	v19 =	vld.msk [tilespmem:$0x120], $0xff;
	_ =	sdelay $0x4  }
0x137: {  	v20 =	vshll.u32 v19, $0x1  }
0x138: {  	v19 =	vand.u32 $0x7, v19;
	v20 =	vand.u32 $0xFFFFFFF0, v20  }
0x139: {  	v19 =	vor.u32 v19, v20  }
0x13a: {  	v19 =	vperm.xlane v19, v0;
	_ =	sdelay $0x1  }
0x13b: {  	v19 =	vadd.s32 v1, v19;
	_ =	sdelay $0x4  }
0x13c: {  	[tilespmem:s29], [sflag:$0x1] =	stream.indirect_vreg.gather [hbm4b:s6+s14], $0x80, v19, vm0, $0xb8;
	[tilespmem:$0xA300] =	vst v63  }
0x13d: {  	_ =	swait.ge [sflag:s3], $0x2800  }
0x13e: {  	[sflag:s3] =	ssyncset.done $0x0  }
0x13f: {  	[sflag:s3] =	ssyncadd.s32 $0xFFFFD800  }
0x140: {  	_ =	swait.ge [sflag:s3], $0x2800  }
0x141: {  	s31 =	sand.u32 $0x3800, s14;
	s14 =	sand.u32 $0x380, s14;
	[sflag:s3] =	ssyncset.done $0x0  }
0x142: {  	s11 =	sor.u32 s14, s31;
	[sflag:s3] =	ssyncadd.s32 $0xFFFFD800  }
0x143: {  	v26 =	vld [tilespmem:s11+$0x7A00]  }
0x144: {  	v27 =	vld [tilespmem:s11+$0x7A10]  }
0x145: {  	v28 =	vld [tilespmem:s11+$0x7A20]  }
0x146: {  	v29 =	vld [tilespmem:s11+$0x7A30]  }
0x147: {  	v30 =	vld [tilespmem:s11+$0x7A40]  }
0x148: {  	v31 =	vld [tilespmem:s11+$0x7A50]  }
0x149: {  	v57 =	vld [tilespmem:s11+$0x7A60]  }
0x14a: {  	v58 =	vld [tilespmem:s11+$0x7A70]  }
0x14b: {  	v35 =	vld [tilespmem:s11+$0x7E00]  }
0x14c: {  	v25 =	vld [tilespmem:s11+$0x7E10]  }
0x14d: {  	v24 =	vld [tilespmem:s11+$0x7E20]  }
0x14e: {  	v23 =	vld [tilespmem:s11+$0x7E30]  }
0x14f: {  	v22 =	vld [tilespmem:s11+$0x7E40]  }
0x150: {  	v21 =	vld [tilespmem:s11+$0x7E50]  }
0x151: {  	v20 =	vld [tilespmem:s11+$0x7E60]  }
0x152: {  	v19 =	vld [tilespmem:s11+$0x7E70]  }
0x153: {  	v59 =	vld [tilespmem:s11+$0x2A00]  }
0x154: {  	v36 =	vld [tilespmem:s11+$0x2A10]  }
0x155: {  	v37 =	vld [tilespmem:s11+$0x2A20]  }
0x156: {  	v38 =	vld [tilespmem:s11+$0x2A30]  }
0x157: {  	v39 =	vld [tilespmem:s11+$0x2A40]  }
0x158: {  	v60 =	vld [tilespmem:s11+$0x2A50];
	v26 =	vadd.f32 v26, v59  }
0x159: {  	v61 =	vld [tilespmem:s11+$0x2A60];
	v27 =	vadd.f32 v27, v36  }
0x15a: {  	v62 =	vld [tilespmem:s11+$0x2A70];
	v28 =	vadd.f32 v28, v37;
	v26 =	vadd.f32 v26, v10  }
0x15b: {  	v40 =	vld [tilespmem:s11+$0x2E00];
	v38 =	vadd.f32 v29, v38;
	v27 =	vadd.f32 v27, v11  }
0x15c: {  	v29 =	vld [tilespmem:s11+$0x2E10];
	[tilespmem:s11+$0x2A00] =	vst v26;
	v26 =	vadd.f32 v28, v13;
	v28 =	vadd.f32 v30, v39  }
0x15d: {  	v31 =	vadd.f32 v31, v60;
	[tilespmem:s11+$0x2A10] =	vst v27;
	v30 =	vadd.f32 v38, v14;
	v27 =	vld [tilespmem:s11+$0x2E20]  }
0x15e: {  	v32 =	vadd.f32 v57, v61;
	[tilespmem:s11+$0x2A20] =	vst v26;
	v63 =	vadd.f32 v28, v15;
	v26 =	vld [tilespmem:s11+$0x2E30]  }
0x15f: {  	v34 =	vadd.f32 v58, v62;
	v33 =	vadd.f32 v31, v17;
	[tilespmem:s11+$0x2A30] =	vst v30;
	v28 =	vld [tilespmem:s11+$0x2E40]  }
0x160: {  	s15 =	simm.s32 $0x100;
	s14 =	simm.s32 $0x80;
	v31 =	vadd.f32 v32, v18;
	v32 =	vadd.f32 v35, v40;
	v30 =	vld [tilespmem:s11+$0x2E50];
	[tilespmem:s11+$0x2A40] =	vst v63  }
.LBB2_5:
0x161: {  	s18 =	sand.u32 $0x3800, s15;
	s30 =	sand.u32 $0x380, s14;
	p0 =	sne.s32 s15, $0x2700;
	[tilespmem:s11+$0x2A50] =	vst v33;
	v33 =	vadd.f32 v34, v16;
	v25 =	vadd.f32 v25, v29;
	v29 =	vld [tilespmem:s11+$0x2E60]  }
0x162: {  	s18 =	sor.u32 s30, s18;
	[tilespmem:s11+$0x2A60] =	vst v31;
	v31 =	vadd.f32 v32, v12;
	v24 =	vadd.f32 v24, v27;
	v27 =	vld [tilespmem:s11+$0x2E70]  }
0x163: {  	v32 =	vld [tilespmem:s18+$0x7A00];
	[tilespmem:s11+$0x2A70] =	vst v33;
	v25 =	vadd.f32 v25, v9;
	v23 =	vadd.f32 v23, v26  }
0x164: {  	v26 =	vld [tilespmem:s18+$0x7A10];
	[tilespmem:s11+$0x2E00] =	vst v31;
	v24 =	vadd.f32 v24, v8;
	v22 =	vadd.f32 v22, v28  }
0x165: {  	v28 =	vld [tilespmem:s18+$0x7A20];
	[tilespmem:s11+$0x2E10] =	vst v25;
	v23 =	vadd.f32 v23, v7;
	v21 =	vadd.f32 v21, v30  }
0x166: {  	v30 =	vld [tilespmem:s18+$0x7A30];
	[tilespmem:s11+$0x2E20] =	vst v24;
	v22 =	vadd.f32 v22, v6;
	v20 =	vadd.f32 v20, v29  }
0x167: {  	v29 =	vld [tilespmem:s18+$0x7A40];
	[tilespmem:s11+$0x2E30] =	vst v23;
	v21 =	vadd.f32 v21, v5;
	v19 =	vadd.f32 v19, v27  }
0x168: {  	v27 =	vld [tilespmem:s18+$0x7A50];
	[tilespmem:s11+$0x2E40] =	vst v22;
	v20 =	vadd.f32 v20, v4  }
0x169: {  	v31 =	vld [tilespmem:s18+$0x7A60];
	[tilespmem:s11+$0x2E50] =	vst v21;
	v19 =	vadd.f32 v19, v3  }
0x16a: {  	v34 =	vld [tilespmem:s18+$0x7A70];
	[tilespmem:s11+$0x2E60] =	vst v20  }
0x16b: {  	v35 =	vld [tilespmem:s18+$0x7E00];
	[tilespmem:s11+$0x2E70] =	vst v19;
	s11 =	smov.u32 s18  }
0x16c: {  	v25 =	vld [tilespmem:s11+$0x7E10]  }
0x16d: {  	v24 =	vld [tilespmem:s11+$0x7E20]  }
0x16e: {  	v23 =	vld [tilespmem:s11+$0x7E30]  }
0x16f: {  	v22 =	vld [tilespmem:s11+$0x7E40]  }
0x170: {  	v21 =	vld [tilespmem:s11+$0x7E50]  }
0x171: {  	v20 =	vld [tilespmem:s11+$0x7E60]  }
0x172: {  	v19 =	vld [tilespmem:s11+$0x7E70]  }
0x173: {  	v33 =	vld [tilespmem:s11+$0x2A00]  }
0x174: {  	v36 =	vld [tilespmem:s11+$0x2A10]  }
0x175: {  	v37 =	vld [tilespmem:s11+$0x2A20]  }
0x176: {  	v38 =	vld [tilespmem:s11+$0x2A30]  }
0x177: {  	v39 =	vld [tilespmem:s11+$0x2A40]  }
0x178: {  	v32 =	vadd.f32 v32, v33;
	v33 =	vld [tilespmem:s11+$0x2A50]  }
0x179: {  	v26 =	vadd.f32 v26, v36;
	v36 =	vld [tilespmem:s11+$0x2A60]  }
0x17a: {  	v32 =	vadd.f32 v32, v10;
	v28 =	vadd.f32 v28, v37;
	v37 =	vld [tilespmem:s11+$0x2A70]  }
0x17b: {  	v26 =	vadd.f32 v26, v11;
	v30 =	vadd.f32 v30, v38;
	v38 =	vld [tilespmem:s11+$0x2E00]  }
.Ltmp1:
0x17c: {  	[tilespmem:s11+$0x2A00] =	vst v32;
	v28 =	vadd.f32 v28, v13;
	v32 =	vadd.f32 v29, v39;
	v29 =	vld [tilespmem:s11+$0x2E10];
	(pc) =	sbr.rel @p0 .LBB2_5-.Ltmp1, $4  }
0x17d: {  	[tilespmem:s11+$0x2A10] =	vst v26;
	v30 =	vadd.f32 v30, v14;
	v33 =	vadd.f32 v27, v33;
	v27 =	vld [tilespmem:s11+$0x2E20]  }
0x17e: {  	[tilespmem:s11+$0x2A20] =	vst v28;
	v32 =	vadd.f32 v32, v15;
	v31 =	vadd.f32 v31, v36;
	v26 =	vld [tilespmem:s11+$0x2E30]  }
0x17f: {  	[tilespmem:s11+$0x2A30] =	vst v30;
	v33 =	vadd.f32 v33, v17;
	v34 =	vadd.f32 v34, v37;
	v28 =	vld [tilespmem:s11+$0x2E40]  }
0x180: {  	s14 =	sadd.s32 $0x80, s14;
	s15 =	sadd.s32 $0x100, s15;
	[tilespmem:s11+$0x2A40] =	vst v32;
	v31 =	vadd.f32 v31, v18;
	v32 =	vadd.f32 v35, v38;
	v30 =	vld [tilespmem:s11+$0x2E50]  }
0x181: {  	[tilespmem:s11+$0x2A50] =	vst v33;
	v60 =	vadd.f32 v34, v16;
	v25 =	vadd.f32 v25, v29;
	v61 =	vld [tilespmem:s11+$0x2E60]  }
0x182: {  	v63 =	vld [tilespmem:s11+$0x2E70];
	[tilespmem:s11+$0x2A60] =	vst v31;
	v62 =	vadd.f32 v32, v12;
	v24 =	vadd.f32 v24, v27  }
0x183: {  	[tilespmem:s11+$0x2A70] =	vst v60;
	v25 =	vadd.f32 v25, v9;
	v23 =	vadd.f32 v23, v26  }
0x184: {  	[tilespmem:s11+$0x2E00] =	vst v62;
	v24 =	vadd.f32 v24, v8;
	v22 =	vadd.f32 v22, v28  }
0x185: {  	[tilespmem:s11+$0x2E10] =	vst v25;
	v23 =	vadd.f32 v23, v7;
	v21 =	vadd.f32 v21, v30  }
0x186: {  	[tilespmem:s11+$0x2E20] =	vst v24;
	v22 =	vadd.f32 v22, v6;
	v20 =	vadd.f32 v20, v61  }
0x187: {  	v19 =	vadd.f32 v19, v63;
	[tilespmem:s11+$0x2E30] =	vst v23;
	v21 =	vadd.f32 v21, v5  }
0x188: {  	[tilespmem:s11+$0x2E40] =	vst v22;
	v20 =	vadd.f32 v20, v4  }
0x189: {  	s16 =	sadd.s32 $0x1, s16;
	v19 =	vadd.f32 v19, v3;
	[tilespmem:s11+$0x2E50] =	vst v21  }
0x18a: {  	s10 =	sshll.u32 s10, $0x5;
	p0 =	sne.s32 s16, $0x3E;
	[tilespmem:s11+$0x2E60] =	vst v20  }
.Ltmp2:
0x18b: {  	s10 =	sadd.s32 s9, s10;
	[tilespmem:s11+$0x2E70] =	vst v19;
	(pc) =	sbr.rel @p0 .LBB2_2-.Ltmp2, $4  }
0x18c: {  	[hbm4b:s10+s4] =	stream.linear.scatter [tilespmem:s0], [sflag:$0x3], $0x2800, $0x38;
	[tilespmem:$0xA300] =	vst v63  }
0x18d: {  	_ =	swait.ge [sflag:s17], $0x2800  }
0x18e: {  	[sflag:s17] =	ssyncset.done $0x0  }
0x18f: {  	[sflag:s17] =	ssyncadd.s32 $0xFFFFD800  }
0x190: {  	_ =	swait.ge [sflag:s2], $0x2800  }
0x191: {  	[sflag:s2] =	ssyncset.done $0x0  }
0x192: {  	[sflag:s2] =	ssyncadd.s32 $0xFFFFD800  }
0x193: {  	s10 =	simm.s32 $0x0;
	_ =	swait.ge [sflag:s2], $0x2800  }
0x194: {  	s11 =	sand.u32 $0x3800, s10;
	s10 =	sand.u32 $0x380, s10;
	[sflag:s2] =	ssyncset.done $0x0  }
0x195: {  	s10 =	sor.u32 s10, s11;
	[sflag:s2] =	ssyncadd.s32 $0xFFFFD800  }
0x196: {  	v26 =	vld [tilespmem:s10+$0x5200]  }
0x197: {  	v27 =	vld [tilespmem:s10+$0x5210]  }
0x198: {  	v28 =	vld [tilespmem:s10+$0x5220]  }
0x199: {  	v29 =	vld [tilespmem:s10+$0x5230]  }
0x19a: {  	v30 =	vld [tilespmem:s10+$0x5240]  }
0x19b: {  	v31 =	vld [tilespmem:s10+$0x5250]  }
0x19c: {  	v32 =	vld [tilespmem:s10+$0x5260]  }
0x19d: {  	v34 =	vld [tilespmem:s10+$0x5270]  }
0x19e: {  	v35 =	vld [tilespmem:s10+$0x5600]  }
0x19f: {  	v25 =	vld [tilespmem:s10+$0x5610]  }
0x1a0: {  	v24 =	vld [tilespmem:s10+$0x5620]  }
0x1a1: {  	v23 =	vld [tilespmem:s10+$0x5630]  }
0x1a2: {  	v22 =	vld [tilespmem:s10+$0x5640]  }
0x1a3: {  	v21 =	vld [tilespmem:s10+$0x5650]  }
0x1a4: {  	v20 =	vld [tilespmem:s10+$0x5660]  }
0x1a5: {  	v19 =	vld [tilespmem:s10+$0x5670]  }
0x1a6: {  	v33 =	vld [tilespmem:s10+$0x200]  }
0x1a7: {  	v36 =	vld [tilespmem:s10+$0x210]  }
0x1a8: {  	v37 =	vld [tilespmem:s10+$0x220]  }
0x1a9: {  	v38 =	vld [tilespmem:s10+$0x230]  }
0x1aa: {  	v39 =	vld [tilespmem:s10+$0x240]  }
0x1ab: {  	v60 =	vld [tilespmem:s10+$0x250];
	v26 =	vadd.f32 v26, v33  }
0x1ac: {  	v61 =	vld [tilespmem:s10+$0x260];
	v27 =	vadd.f32 v27, v36  }
0x1ad: {  	v62 =	vld [tilespmem:s10+$0x270];
	v28 =	vadd.f32 v28, v37;
	v26 =	vadd.f32 v26, v10  }
0x1ae: {  	v40 =	vld [tilespmem:s10+$0x600];
	v38 =	vadd.f32 v29, v38;
	v27 =	vadd.f32 v27, v11  }
0x1af: {  	v29 =	vld [tilespmem:s10+$0x610];
	[tilespmem:s10+$0x200] =	vst v26;
	v26 =	vadd.f32 v28, v13;
	v28 =	vadd.f32 v30, v39  }
0x1b0: {  	v31 =	vadd.f32 v31, v60;
	[tilespmem:s10+$0x210] =	vst v27;
	v30 =	vadd.f32 v38, v14;
	v27 =	vld [tilespmem:s10+$0x620]  }
0x1b1: {  	v32 =	vadd.f32 v32, v61;
	[tilespmem:s10+$0x220] =	vst v26;
	v63 =	vadd.f32 v28, v15;
	v26 =	vld [tilespmem:s10+$0x630]  }
0x1b2: {  	v34 =	vadd.f32 v34, v62;
	v33 =	vadd.f32 v31, v17;
	[tilespmem:s10+$0x230] =	vst v30;
	v28 =	vld [tilespmem:s10+$0x640]  }
0x1b3: {  	s14 =	simm.s32 $0x100;
	s11 =	simm.s32 $0x80;
	v31 =	vadd.f32 v32, v18;
	v32 =	vadd.f32 v35, v40;
	v30 =	vld [tilespmem:s10+$0x650];
	[tilespmem:s10+$0x240] =	vst v63  }
.LBB2_8:
0x1b4: {  	s15 =	sand.u32 $0x3800, s14;
	s16 =	sand.u32 $0x380, s11;
	p0 =	sne.s32 s14, $0x2700;
	[tilespmem:s10+$0x250] =	vst v33;
	v33 =	vadd.f32 v34, v16;
	v25 =	vadd.f32 v25, v29;
	v29 =	vld [tilespmem:s10+$0x660]  }
0x1b5: {  	s15 =	sor.u32 s16, s15;
	[tilespmem:s10+$0x260] =	vst v31;
	v31 =	vadd.f32 v32, v12;
	v24 =	vadd.f32 v24, v27;
	v27 =	vld [tilespmem:s10+$0x670]  }
0x1b6: {  	v32 =	vld [tilespmem:s15+$0x5200];
	[tilespmem:s10+$0x270] =	vst v33;
	v25 =	vadd.f32 v25, v9;
	v23 =	vadd.f32 v23, v26  }
0x1b7: {  	v26 =	vld [tilespmem:s15+$0x5210];
	[tilespmem:s10+$0x600] =	vst v31;
	v24 =	vadd.f32 v24, v8;
	v22 =	vadd.f32 v22, v28  }
0x1b8: {  	v28 =	vld [tilespmem:s15+$0x5220];
	[tilespmem:s10+$0x610] =	vst v25;
	v23 =	vadd.f32 v23, v7;
	v21 =	vadd.f32 v21, v30  }
0x1b9: {  	v30 =	vld [tilespmem:s15+$0x5230];
	[tilespmem:s10+$0x620] =	vst v24;
	v22 =	vadd.f32 v22, v6;
	v20 =	vadd.f32 v20, v29  }
0x1ba: {  	v29 =	vld [tilespmem:s15+$0x5240];
	[tilespmem:s10+$0x630] =	vst v23;
	v21 =	vadd.f32 v21, v5;
	v19 =	vadd.f32 v19, v27  }
0x1bb: {  	v27 =	vld [tilespmem:s15+$0x5250];
	[tilespmem:s10+$0x640] =	vst v22;
	v20 =	vadd.f32 v20, v4  }
0x1bc: {  	v31 =	vld [tilespmem:s15+$0x5260];
	[tilespmem:s10+$0x650] =	vst v21;
	v19 =	vadd.f32 v19, v3  }
0x1bd: {  	v34 =	vld [tilespmem:s15+$0x5270];
	[tilespmem:s10+$0x660] =	vst v20  }
0x1be: {  	v35 =	vld [tilespmem:s15+$0x5600];
	[tilespmem:s10+$0x670] =	vst v19;
	s10 =	smov.u32 s15  }
0x1bf: {  	v25 =	vld [tilespmem:s10+$0x5610]  }
0x1c0: {  	v24 =	vld [tilespmem:s10+$0x5620]  }
0x1c1: {  	v23 =	vld [tilespmem:s10+$0x5630]  }
0x1c2: {  	v22 =	vld [tilespmem:s10+$0x5640]  }
0x1c3: {  	v21 =	vld [tilespmem:s10+$0x5650]  }
0x1c4: {  	v20 =	vld [tilespmem:s10+$0x5660]  }
0x1c5: {  	v19 =	vld [tilespmem:s10+$0x5670]  }
0x1c6: {  	v33 =	vld [tilespmem:s10+$0x200]  }
0x1c7: {  	v36 =	vld [tilespmem:s10+$0x210]  }
0x1c8: {  	v37 =	vld [tilespmem:s10+$0x220]  }
0x1c9: {  	v38 =	vld [tilespmem:s10+$0x230]  }
0x1ca: {  	v39 =	vld [tilespmem:s10+$0x240]  }
0x1cb: {  	v32 =	vadd.f32 v32, v33;
	v33 =	vld [tilespmem:s10+$0x250]  }
0x1cc: {  	v26 =	vadd.f32 v26, v36;
	v36 =	vld [tilespmem:s10+$0x260]  }
0x1cd: {  	v32 =	vadd.f32 v32, v10;
	v28 =	vadd.f32 v28, v37;
	v37 =	vld [tilespmem:s10+$0x270]  }
0x1ce: {  	v26 =	vadd.f32 v26, v11;
	v30 =	vadd.f32 v30, v38;
	v38 =	vld [tilespmem:s10+$0x600]  }
.Ltmp3:
0x1cf: {  	[tilespmem:s10+$0x200] =	vst v32;
	v28 =	vadd.f32 v28, v13;
	v32 =	vadd.f32 v29, v39;
	v29 =	vld [tilespmem:s10+$0x610];
	(pc) =	sbr.rel @p0 .LBB2_8-.Ltmp3, $4  }
0x1d0: {  	[tilespmem:s10+$0x210] =	vst v26;
	v30 =	vadd.f32 v30, v14;
	v33 =	vadd.f32 v27, v33;
	v27 =	vld [tilespmem:s10+$0x620]  }
0x1d1: {  	[tilespmem:s10+$0x220] =	vst v28;
	v32 =	vadd.f32 v32, v15;
	v31 =	vadd.f32 v31, v36;
	v26 =	vld [tilespmem:s10+$0x630]  }
0x1d2: {  	[tilespmem:s10+$0x230] =	vst v30;
	v33 =	vadd.f32 v33, v17;
	v34 =	vadd.f32 v34, v37;
	v28 =	vld [tilespmem:s10+$0x640]  }
0x1d3: {  	s11 =	sadd.s32 $0x80, s11;
	s14 =	sadd.s32 $0x100, s14;
	[tilespmem:s10+$0x240] =	vst v32;
	v31 =	vadd.f32 v31, v18;
	v32 =	vadd.f32 v35, v38;
	v30 =	vld [tilespmem:s10+$0x650]  }
0x1d4: {  	[tilespmem:s10+$0x250] =	vst v33;
	v10 =	vadd.f32 v34, v16;
	v11 =	vadd.f32 v25, v29;
	v13 =	vld [tilespmem:s10+$0x660]  }
0x1d5: {  	v15 =	vld [tilespmem:s10+$0x670];
	[tilespmem:s10+$0x260] =	vst v31;
	v12 =	vadd.f32 v32, v12;
	v14 =	vadd.f32 v24, v27  }
0x1d6: {  	[tilespmem:s10+$0x270] =	vst v10;
	v9 =	vadd.f32 v11, v9;
	v59 =	vadd.f32 v23, v26  }
0x1d7: {  	[tilespmem:s10+$0x600] =	vst v12;
	v8 =	vadd.f32 v14, v8;
	v60 =	vadd.f32 v22, v28  }
0x1d8: {  	[tilespmem:s10+$0x610] =	vst v9;
	v7 =	vadd.f32 v59, v7;
	v61 =	vadd.f32 v21, v30  }
0x1d9: {  	[tilespmem:s10+$0x620] =	vst v8;
	v6 =	vadd.f32 v60, v6;
	v62 =	vadd.f32 v20, v13  }
0x1da: {  	v63 =	vadd.f32 v19, v15;
	[tilespmem:s10+$0x630] =	vst v7;
	v5 =	vadd.f32 v61, v5  }
0x1db: {  	[tilespmem:s10+$0x640] =	vst v6;
	v4 =	vadd.f32 v62, v4  }
0x1dc: {  	v3 =	vadd.f32 v63, v3;
	[tilespmem:s10+$0x650] =	vst v5  }
0x1dd: {  	[tilespmem:s10+$0x660] =	vst v4  }
0x1de: {  	s30 =	rddreg [dreg:$0x5];
	[tilespmem:s10+$0x670] =	vst v3  }
0x1df: {  	[hbm4b:s30+s4] =	stream.linear.scatter [tilespmem:s19], [sflag:$0x3], $0x2800, $0x38;
	[tilespmem:$0xA300] =	vst v63  }
0x1e0: {  	_ =	swait.ge [sflag:s17], $0x2800  }
0x1e1: {  	s11 =	rddreg [dreg:$0x7]  }
0x1e2: {  	s31 =	rddreg [dreg:$0x6];
	s11 =	sadd.s32 $0x1, s11  }
0x1e3: {  	p0 =	sne.s32 s11, s31  }
.Ltmp4:
0x1e4: {  	_ = 	snop;
	(pc) =	sbr.rel @p0 .LBB2_1-.Ltmp4, $3  }
0x1e5: {  	_ =	sdelay $0x1  }
0x1e6: {  	[sflag:s17] =	ssyncset.done $0x0  }
0x1e7: {  	[sflag:s17] =	ssyncadd.s32 $0xFFFFD800  }
0x1e8: {  	_ =	sfence.sel $0x180000  }
0x1e9: {  	[bflag:$0x0] =	sbarrier.arrive $0xFFFF  }
0x1ea: {  	_ =	strace $0x90000047  }
0x1eb: {  	s0 =	stileid.u32;
	[bflag:$0x2] =	sbarrier.arrive $0xFFFF  }
0x1ec: {  	p0 =	sne.s32 s0, $0x0;
	s0 =	rddreg [dreg:$0x2]  }
0x1ed: {  	s0 =	sadd.s32 @!p0 $0x100000, s0  }
0x1ee: {  	[sflag:s0] =	ssyncadd.tile.s32 @!p0 $0x1;
	_ =	shalt  }
.Lfunc_end2:
_tile_overlayer_lowered:
.L_overlay_start_2:
0x1ef: {  	(tag) =	ssettag $0x2  }
0x1f0: {  	s0 =	rddreg [dreg:$0x0];
	s2 =	stileid.u32  }
0x1f1: {  	s1 =	rddreg [dreg:$0x1];
	p0 =	sne.s32 s2, $0x0  }
0x1f2: {  	s3 =	rddreg [dreg:$0x2];
	[bflag:$0x3] =	sbarrier.arrive $0xFFFF;
	s2 =	simm.s32 @!p0 $0x1C03  }
0x1f3: {  	[timem:s3], [sflag:s2] =	dma.local @!p0 [hbm:s0], s1  }
0x1f4: {  	s0 =	simm.s32 @!p0 $0x3  }
0x1f5: {  	_ =	swait.ge @!p0 [sflag:s0], s1  }
0x1f6: {  	s1 =	ssub.s32 @!p0 $0x0, s1;
	[sflag:s0] =	ssyncset.done @!p0 $0x0  }
0x1f7: {  	[sflag:s0] =	ssyncadd.s32 @!p0 s1  }
0x1f8: {  	[bflag:$0x3] =	sbarrier.arrive $0xFFFF  }
0x1f9: {  	_ =	shalt  }

</sc_bundles>
